<compile_context>
chip_gen: v7x
topology: tpu7x:2x2x1
jax: 0.10.2.dev20260603
libtpu: 0.0.44.dev20260713+nightly
codegen_flags: <defaults>
</compile_context>

<pallas_src>
import functools

import jax
import jax.numpy as jnp
from jax import lax
from jax.experimental import pallas as pl
from jax.experimental.pallas import tpu as pltpu
from jax.experimental.pallas import tpu_sc as plsc

_N = 10000
_E = 320000
_F = 128
_NHID = 256
_NCLASS = 64
_EPS = 0.03

_NC = 2
_NS = 16
_NW = _NC * _NS
_CHUNK = 128
_NCH = 80
_NPAIR = _NCH // 2
_NGRP = _NPAIR // 2
_E_PER_W = _NCH * _CHUNK
_E_PAD = _E_PER_W * _NW
_N_PAD = 10240
_ROWS_PER_TILE = _N_PAD // _NS


def _sc_agg_body(feat_hbm, src_hbm, dst_hbm, out_hbm,
                 src_v, dst_v, rows0_v, rows1_v, agg_sh,
                 semA, semB, semI, semS0, semS1):
    c = lax.axis_index("c")
    s = lax.axis_index("s")
    wid = c * _NS + s

    icp = pltpu.async_copy(dst_hbm.at[wid], dst_v, semI)
    ic0 = pltpu.async_copy(src_hbm.at[wid, 0], src_v.at[0], semS0)
    ic1 = pltpu.async_copy(src_hbm.at[wid, 1], src_v.at[1], semS1)

    zv = jnp.zeros((16,), jnp.float32)

    def zrow(i, carry):
        for k in range(_F // 16):
            rows0_v[i, pl.ds(k * 16, 16)] = zv
        return carry

    lax.fori_loop(0, _CHUNK, zrow, 0)
    base_rows = s * _ROWS_PER_TILE
    for k in range(_ROWS_PER_TILE // _CHUNK):
        pltpu.sync_copy(rows0_v, agg_sh.at[pl.ds(base_rows + k * _CHUNK, _CHUNK)])
    icp.wait()
    ic0.wait()
    ic1.wait()
    plsc.subcore_barrier()

    @pl.loop(0, _NGRP)
    def _grp(q):
        ch = 4 * q
        g0 = pltpu.async_copy(feat_hbm.at[src_v.at[0, 0]], rows0_v, semA)
        g1 = pltpu.async_copy(feat_hbm.at[src_v.at[0, 1]], rows1_v, semB)
        g0.wait()
        s0 = pltpu.async_copy(rows0_v, agg_sh.at[dst_v.at[ch]], semS0, add=True)
        g1.wait()
        s1 = pltpu.async_copy(rows1_v, agg_sh.at[dst_v.at[ch + 1]], semS1, add=True)
        i0 = pltpu.async_copy(src_hbm.at[wid, 2 * q + 2], src_v.at[0], semI)
        s0.wait()
        g2 = pltpu.async_copy(feat_hbm.at[src_v.at[1, 0]], rows0_v, semA)
        s1.wait()
        g3 = pltpu.async_copy(feat_hbm.at[src_v.at[1, 1]], rows1_v, semB)
        g2.wait()
        s2 = pltpu.async_copy(rows0_v, agg_sh.at[dst_v.at[ch + 2]], semS0, add=True)
        g3.wait()
        s3 = pltpu.async_copy(rows1_v, agg_sh.at[dst_v.at[ch + 3]], semS1, add=True)
        i1 = pltpu.async_copy(src_hbm.at[wid, 2 * q + 3], src_v.at[1], semI)
        s2.wait()
        s3.wait()
        i0.wait()
        i1.wait()

    plsc.subcore_barrier()

    sl = pl.ds(base_rows, _ROWS_PER_TILE)
    pltpu.sync_copy(agg_sh.at[sl], out_hbm.at[c, sl])


_sc_agg = functools.partial(
    pl.kernel,
    out_type=jax.ShapeDtypeStruct((_NC, _N_PAD, _F), jnp.float32),
    mesh=plsc.VectorSubcoreMesh(core_axis_name="c", subcore_axis_name="s"),
    scratch_types=[
        pltpu.VMEM((2, 2, _CHUNK), jnp.int32),
        pltpu.VMEM((_NCH, _CHUNK), jnp.int32),
        pltpu.VMEM((_CHUNK, _F), jnp.float32),
        pltpu.VMEM((_CHUNK, _F), jnp.float32),
        pltpu.VMEM_SHARED((_N_PAD, _F), jnp.float32),
        pltpu.SemaphoreType.DMA,
        pltpu.SemaphoreType.DMA,
        pltpu.SemaphoreType.DMA,
        pltpu.SemaphoreType.DMA,
        pltpu.SemaphoreType.DMA,
    ],
)(_sc_agg_body)


_MB = 2000


def _mlp_body(feat_ref, agg_ref, w2_ref, b2_ref, w3_ref, b3_ref, out_ref):
    h = (1.0 + _EPS) * feat_ref[...] + agg_ref[0] + agg_ref[1]
    x = jnp.dot(h, w2_ref[...], preferred_element_type=jnp.float32)
    x = jnp.maximum(x + b2_ref[...], 0.0)
    y = jnp.dot(x, w3_ref[...], preferred_element_type=jnp.float32)
    y = y + b3_ref[...]
    m = jnp.max(y, axis=1, keepdims=True)
    e = jnp.exp(y - m)
    out_ref[...] = (y - m) - jnp.log(jnp.sum(e, axis=1, keepdims=True))


def kernel(feat, edge_index, W2, b2, W3, b3):
    pad = _E_PAD - _E
    pad_src = jnp.zeros((pad,), jnp.int32)
    pad_dst = _N + (jnp.arange(pad, dtype=jnp.int32) % (_N_PAD - _N))
    src = jnp.concatenate([edge_index[0], pad_src]).reshape(_NW, _E_PER_W)
    src = jnp.pad(src, ((0, 0), (0, 4 * _CHUNK)))
    src = src.reshape(_NW, _NPAIR + 2, 2, _CHUNK)
    dst = jnp.concatenate([edge_index[1], pad_dst]).reshape(_NW, _NCH, _CHUNK)
    agg = _sc_agg(feat, src, dst)

    grid = (_N // _MB,)
    out = pl.pallas_call(
        _mlp_body,
        grid=grid,
        in_specs=[
            pl.BlockSpec((_MB, _F), lambda i: (i, 0)),
            pl.BlockSpec((_NC, _MB, _F), lambda i: (0, i, 0)),
            pl.BlockSpec((_F, _NHID), lambda i: (0, 0)),
            pl.BlockSpec((1, _NHID), lambda i: (0, 0)),
            pl.BlockSpec((_NHID, _NCLASS), lambda i: (0, 0)),
            pl.BlockSpec((1, _NCLASS), lambda i: (0, 0)),
        ],
        out_specs=pl.BlockSpec((_MB, _NCLASS), lambda i: (i, 0)),
        out_shape=jax.ShapeDtypeStruct((_N, _NCLASS), jnp.float32),
    )(feat, agg, W2, b2.reshape(1, _NHID), W3, b3.reshape(1, _NCLASS))
    return out

# --- scband reference (transcript-rebuilt; emitter-appended) ---
"""Pipeline reference for scband-gin-72301479461100 (READ-ONLY COPY).

The authoritative reference and input builder live on the scoring server;
editing this copy changes nothing except your own understanding.
"""

import jax, jax.numpy as jnp
import numpy as np

N_NODES = 10000
N_EDGES = 320000
NFEAT = 128
NHID = 256
NCLASS = 64
EPS = 0.03  # GINConv init_eps=0.03, learn_eps=False -> fixed buffer


def setup_inputs(seed: int = 0) -> dict:
    key = jax.random.key(seed)
    k1, k2, k3, k4 = jax.random.split(key, 4)
    feat = jax.random.normal(k1, (N_NODES, NFEAT), dtype=jnp.float32)
    # graph as edge_index: row 0 = src, row 1 = dst
    edge_index = jax.random.randint(k2, (2, N_EDGES), 0, N_NODES, dtype=jnp.int32)
    # Linear gc2: nfeat -> nhid (stored as [in, out] for x @ W + b)
    lim2 = 1.0 / np.sqrt(NFEAT)
    W2 = jax.random.uniform(k3, (NFEAT, NHID), dtype=jnp.float32, minval=-lim2, maxval=lim2)
    b2 = jnp.zeros((NHID,), dtype=jnp.float32)
    # Linear gc3: nhid -> nclass
    lim3 = 1.0 / np.sqrt(NHID)
    W3 = jax.random.uniform(k4, (NHID, NCLASS), dtype=jnp.float32, minval=-lim3, maxval=lim3)
    b3 = jnp.zeros((NCLASS,), dtype=jnp.float32)
    return {"feat": feat, "edge_index": edge_index, "W2": W2, "b2": b2, "W3": W3, "b3": b3}


def reference(feat, edge_index, W2, b2, W3, b3):
    src = edge_index[0]
    dst = edge_index[1]
    # GINConv with apply_func=None, aggregator_type='sum':
    # h_v = (1 + eps) * x_v + sum_{u in N(v)} x_u
    messages = jnp.take(feat, src, axis=0)          # gather over edges
    agg = jax.ops.segment_sum(messages, dst, num_segments=N_NODES)  # scatter-add
    h = (1.0 + EPS) * feat + agg
    # gc2 Linear + ReLU
    x = h @ W2 + b2
    x = jax.nn.relu(x)
    # gc3 Linear
    x = x @ W3 + b3
    # dropout is identity in eval mode (deterministic reference)
    return jax.nn.log_softmax(x, axis=1)

if __name__ == "__main__":
    import jax
    _d = setup_inputs()
    print(jax.jit(kernel)(*tuple(_d.values())))

</pallas_src>

<mosaic_0001>
#map = affine_map<(d0, d1) -> (0, 0)>
#map1 = affine_map<(d0, d1) -> (0, 0, 0, 0)>
#map2 = affine_map<(d0, d1) -> (0, 0, 0)>
module attributes {stable_mosaic.version = 14 : i64} {
  func.func @_sc_agg_body(%arg0: i32, %arg1: i32, %arg2: memref<10000x128xf32, #tpu.memory_space<hbm>>, %arg3: memref<32x42x2x128xi32, #tpu.memory_space<hbm>>, %arg4: memref<32x80x128xi32, #tpu.memory_space<hbm>>, %arg5: memref<2x10240x128xf32, #tpu.memory_space<hbm>>, %arg6: memref<2x2x128xi32, #tpu.memory_space<vmem>>, %arg7: memref<80x128xi32, #tpu.memory_space<vmem>>, %arg8: memref<128x128xf32, #tpu.memory_space<vmem>>, %arg9: memref<128x128xf32, #tpu.memory_space<vmem>>, %arg10: memref<10240x128xf32, #tpu.memory_space<vmem_shared>>, %arg11: memref<!tpu.dma_semaphore, #tpu.memory_space<semaphore_mem>>, %arg12: memref<!tpu.dma_semaphore, #tpu.memory_space<semaphore_mem>>, %arg13: memref<!tpu.dma_semaphore, #tpu.memory_space<semaphore_mem>>, %arg14: memref<!tpu.dma_semaphore, #tpu.memory_space<semaphore_mem>>, %arg15: memref<!tpu.dma_semaphore, #tpu.memory_space<semaphore_mem>>) attributes {dimension_semantics = [#tpu.dimension_semantics<core_parallel>, #tpu.dimension_semantics<subcore_parallel>], iteration_bounds = array<i64: 2, 16>, scalar_prefetch = 0 : i64, scratch_operands = 10 : i64, tpu.core_type = #tpu.core_type<sc_vector_subcore>, window_params = [{transform_indices = #map}, {transform_indices = #map1}, {transform_indices = #map2}, {transform_indices = #map2}]} {
    %mul3A = arith.constant 16 : i32
    %mul3A_0 = arith.muli %arg0, %mul3A : i32
    %add3A = arith.addi %mul3A_0, %arg1 : i32
    %dma_start3A = arith.constant 0 : i32
    %dma_start3A_1 = arith.constant 0 : i32
    %dma_start3A_2 = tpu.memref_slice %arg4[%add3A, %dma_start3A, %dma_start3A_1] : memref<32x80x128xi32, #tpu.memory_space<hbm>> -> memref<1x80x128xi32, #tpu.memory_space<hbm>>
    %dma_start3A_3 = tpu.memref_squeeze %dma_start3A_2 : memref<1x80x128xi32, #tpu.memory_space<hbm>> -> memref<80x128xi32, #tpu.memory_space<hbm>>
    %dma_start3A_4 = arith.constant 0 : i32
    %dma_start3A_5 = arith.constant 0 : i32
    %dma_start3A_6 = tpu.memref_slice %arg4[%add3A, %dma_start3A_4, %dma_start3A_5] : memref<32x80x128xi32, #tpu.memory_space<hbm>> -> memref<1x80x128xi32, #tpu.memory_space<hbm>>
    %dma_start3A_7 = tpu.memref_squeeze %dma_start3A_6 : memref<1x80x128xi32, #tpu.memory_space<hbm>> -> memref<80x128xi32, #tpu.memory_space<hbm>>
    tpu.enqueue_dma source(%dma_start3A_7 : memref<80x128xi32, #tpu.memory_space<hbm>>) target(%arg7 : memref<80x128xi32, #tpu.memory_space<vmem>>) target_semaphore(%arg13 : memref<!tpu.dma_semaphore, #tpu.memory_space<semaphore_mem>>)
    %dma_start3A_8 = arith.constant 0 : i32
    %dma_start3A_9 = arith.constant 0 : i32
    %dma_start3A_10 = arith.constant 0 : i32
    %dma_start3A_11 = arith.constant 0 : i32
    %dma_start3A_12 = tpu.memref_slice %arg6[%dma_start3A_9, %dma_start3A_10, %dma_start3A_11] : memref<2x2x128xi32, #tpu.memory_space<vmem>> -> memref<1x2x128xi32, #tpu.memory_space<vmem>>
    %dma_start3A_13 = tpu.memref_squeeze %dma_start3A_12 : memref<1x2x128xi32, #tpu.memory_space<vmem>> -> memref<2x128xi32, #tpu.memory_space<vmem>>
    %dma_start3A_14 = arith.constant 0 : i32
    %dma_start3A_15 = arith.constant 0 : i32
    %dma_start3A_16 = tpu.memref_slice %arg3[%add3A, %dma_start3A_8, %dma_start3A_14, %dma_start3A_15] : memref<32x42x2x128xi32, #tpu.memory_space<hbm>> -> memref<1x1x2x128xi32, #tpu.memory_space<hbm>>
    %dma_start3A_17 = tpu.memref_squeeze %dma_start3A_16 : memref<1x1x2x128xi32, #tpu.memory_space<hbm>> -> memref<2x128xi32, #tpu.memory_space<hbm>>
    %dma_start3A_18 = arith.constant 0 : i32
    %dma_start3A_19 = arith.constant 0 : i32
    %dma_start3A_20 = tpu.memref_slice %arg6[%dma_start3A_9, %dma_start3A_18, %dma_start3A_19] : memref<2x2x128xi32, #tpu.memory_space<vmem>> -> memref<1x2x128xi32, #tpu.memory_space<vmem>>
    %dma_start3A_21 = tpu.memref_squeeze %dma_start3A_20 : memref<1x2x128xi32, #tpu.memory_space<vmem>> -> memref<2x128xi32, #tpu.memory_space<vmem>>
    %dma_start3A_22 = arith.constant 0 : i32
    %dma_start3A_23 = arith.constant 0 : i32
    %dma_start3A_24 = tpu.memref_slice %arg3[%add3A, %dma_start3A_8, %dma_start3A_22, %dma_start3A_23] : memref<32x42x2x128xi32, #tpu.memory_space<hbm>> -> memref<1x1x2x128xi32, #tpu.memory_space<hbm>>
    %dma_start3A_25 = tpu.memref_squeeze %dma_start3A_24 : memref<1x1x2x128xi32, #tpu.memory_space<hbm>> -> memref<2x128xi32, #tpu.memory_space<hbm>>
    tpu.enqueue_dma source(%dma_start3A_25 : memref<2x128xi32, #tpu.memory_space<hbm>>) target(%dma_start3A_21 : memref<2x128xi32, #tpu.memory_space<vmem>>) target_semaphore(%arg14 : memref<!tpu.dma_semaphore, #tpu.memory_space<semaphore_mem>>)
    %dma_start3A_26 = arith.constant 1 : i32
    %dma_start3A_27 = arith.constant 1 : i32
    %dma_start3A_28 = arith.constant 0 : i32
    %dma_start3A_29 = arith.constant 0 : i32
    %dma_start3A_30 = tpu.memref_slice %arg6[%dma_start3A_27, %dma_start3A_28, %dma_start3A_29] : memref<2x2x128xi32, #tpu.memory_space<vmem>> -> memref<1x2x128xi32, #tpu.memory_space<vmem>>
    %dma_start3A_31 = tpu.memref_squeeze %dma_start3A_30 : memref<1x2x128xi32, #tpu.memory_space<vmem>> -> memref<2x128xi32, #tpu.memory_space<vmem>>
    %dma_start3A_32 = arith.constant 0 : i32
    %dma_start3A_33 = arith.constant 0 : i32
    %dma_start3A_34 = tpu.memref_slice %arg3[%add3A, %dma_start3A_26, %dma_start3A_32, %dma_start3A_33] : memref<32x42x2x128xi32, #tpu.memory_space<hbm>> -> memref<1x1x2x128xi32, #tpu.memory_space<hbm>>
    %dma_start3A_35 = tpu.memref_squeeze %dma_start3A_34 : memref<1x1x2x128xi32, #tpu.memory_space<hbm>> -> memref<2x128xi32, #tpu.memory_space<hbm>>
    %dma_start3A_36 = arith.constant 0 : i32
    %dma_start3A_37 = arith.constant 0 : i32
    %dma_start3A_38 = tpu.memref_slice %arg6[%dma_start3A_27, %dma_start3A_36, %dma_start3A_37] : memref<2x2x128xi32, #tpu.memory_space<vmem>> -> memref<1x2x128xi32, #tpu.memory_space<vmem>>
    %dma_start3A_39 = tpu.memref_squeeze %dma_start3A_38 : memref<1x2x128xi32, #tpu.memory_space<vmem>> -> memref<2x128xi32, #tpu.memory_space<vmem>>
    %dma_start3A_40 = arith.constant 0 : i32
    %dma_start3A_41 = arith.constant 0 : i32
    %dma_start3A_42 = tpu.memref_slice %arg3[%add3A, %dma_start3A_26, %dma_start3A_40, %dma_start3A_41] : memref<32x42x2x128xi32, #tpu.memory_space<hbm>> -> memref<1x1x2x128xi32, #tpu.memory_space<hbm>>
    %dma_start3A_43 = tpu.memref_squeeze %dma_start3A_42 : memref<1x1x2x128xi32, #tpu.memory_space<hbm>> -> memref<2x128xi32, #tpu.memory_space<hbm>>
    tpu.enqueue_dma source(%dma_start3A_43 : memref<2x128xi32, #tpu.memory_space<hbm>>) target(%dma_start3A_39 : memref<2x128xi32, #tpu.memory_space<vmem>>) target_semaphore(%arg15 : memref<!tpu.dma_semaphore, #tpu.memory_space<semaphore_mem>>)
    %broadcast_in_dim3A = arith.constant 0.000000e+00 : f32
    %broadcast_in_dim3A_44 = vector.broadcast %broadcast_in_dim3A : f32 to vector<16xf32>
    %scan3A = arith.constant 0 : i32
    %scan3A_45 = arith.constant 0 : i32
    %scan3A_46 = arith.constant 128 : i32
    %scan3A_47 = arith.addi %scan3A_45, %scan3A_46 : i32
    %scan3A_48 = arith.constant 1 : i32
    scf.for %scan3A_111 = %scan3A_45 to %scan3A_47 step %scan3A_48  : i32 {
      %swap3A = arith.index_cast %scan3A_111 : i32 to index
      %swap3A_112 = arith.constant 0 : index
      %swap3A_113 = tpu.vector_load %arg8[%swap3A, %swap3A_112] {strides = array<i32>} : memref<128x128xf32, #tpu.memory_space<vmem>>, vector<1x16xf32>,
      %swap3A_114 = vector.shape_cast %swap3A_113 : vector<1x16xf32> to vector<16xf32>
      %swap3A_115 = vector.shape_cast %broadcast_in_dim3A_44 : vector<16xf32> to vector<1x16xf32>
      tpu.vector_store %arg8[%swap3A, %swap3A_112], %swap3A_115 {strides = array<i32>} : memref<128x128xf32, #tpu.memory_space<vmem>>, vector<1x16xf32>,
      %swap3A_116 = arith.index_cast %scan3A_111 : i32 to index
      %swap3A_117 = arith.constant 16 : index
      %swap3A_118 = tpu.vector_load %arg8[%swap3A_116, %swap3A_117] {strides = array<i32>} : memref<128x128xf32, #tpu.memory_space<vmem>>, vector<1x16xf32>,
      %swap3A_119 = vector.shape_cast %swap3A_118 : vector<1x16xf32> to vector<16xf32>
      %swap3A_120 = vector.shape_cast %broadcast_in_dim3A_44 : vector<16xf32> to vector<1x16xf32>
      tpu.vector_store %arg8[%swap3A_116, %swap3A_117], %swap3A_120 {strides = array<i32>} : memref<128x128xf32, #tpu.memory_space<vmem>>, vector<1x16xf32>,
      %swap3A_121 = arith.index_cast %scan3A_111 : i32 to index
      %swap3A_122 = arith.constant 32 : index
      %swap3A_123 = tpu.vector_load %arg8[%swap3A_121, %swap3A_122] {strides = array<i32>} : memref<128x128xf32, #tpu.memory_space<vmem>>, vector<1x16xf32>,
      %swap3A_124 = vector.shape_cast %swap3A_123 : vector<1x16xf32> to vector<16xf32>
      %swap3A_125 = vector.shape_cast %broadcast_in_dim3A_44 : vector<16xf32> to vector<1x16xf32>
      tpu.vector_store %arg8[%swap3A_121, %swap3A_122], %swap3A_125 {strides = array<i32>} : memref<128x128xf32, #tpu.memory_space<vmem>>, vector<1x16xf32>,
      %swap3A_126 = arith.index_cast %scan3A_111 : i32 to index
      %swap3A_127 = arith.constant 48 : index
      %swap3A_128 = tpu.vector_load %arg8[%swap3A_126, %swap3A_127] {strides = array<i32>} : memref<128x128xf32, #tpu.memory_space<vmem>>, vector<1x16xf32>,
      %swap3A_129 = vector.shape_cast %swap3A_128 : vector<1x16xf32> to vector<16xf32>
      %swap3A_130 = vector.shape_cast %broadcast_in_dim3A_44 : vector<16xf32> to vector<1x16xf32>
      tpu.vector_store %arg8[%swap3A_126, %swap3A_127], %swap3A_130 {strides = array<i32>} : memref<128x128xf32, #tpu.memory_space<vmem>>, vector<1x16xf32>,
      %swap3A_131 = arith.index_cast %scan3A_111 : i32 to index
      %swap3A_132 = arith.constant 64 : index
      %swap3A_133 = tpu.vector_load %arg8[%swap3A_131, %swap3A_132] {strides = array<i32>} : memref<128x128xf32, #tpu.memory_space<vmem>>, vector<1x16xf32>,
      %swap3A_134 = vector.shape_cast %swap3A_133 : vector<1x16xf32> to vector<16xf32>
      %swap3A_135 = vector.shape_cast %broadcast_in_dim3A_44 : vector<16xf32> to vector<1x16xf32>
      tpu.vector_store %arg8[%swap3A_131, %swap3A_132], %swap3A_135 {strides = array<i32>} : memref<128x128xf32, #tpu.memory_space<vmem>>, vector<1x16xf32>,
      %swap3A_136 = arith.index_cast %scan3A_111 : i32 to index
      %swap3A_137 = arith.constant 80 : index
      %swap3A_138 = tpu.vector_load %arg8[%swap3A_136, %swap3A_137] {strides = array<i32>} : memref<128x128xf32, #tpu.memory_space<vmem>>, vector<1x16xf32>,
      %swap3A_139 = vector.shape_cast %swap3A_138 : vector<1x16xf32> to vector<16xf32>
      %swap3A_140 = vector.shape_cast %broadcast_in_dim3A_44 : vector<16xf32> to vector<1x16xf32>
      tpu.vector_store %arg8[%swap3A_136, %swap3A_137], %swap3A_140 {strides = array<i32>} : memref<128x128xf32, #tpu.memory_space<vmem>>, vector<1x16xf32>,
      %swap3A_141 = arith.index_cast %scan3A_111 : i32 to index
      %swap3A_142 = arith.constant 96 : index
      %swap3A_143 = tpu.vector_load %arg8[%swap3A_141, %swap3A_142] {strides = array<i32>} : memref<128x128xf32, #tpu.memory_space<vmem>>, vector<1x16xf32>,
      %swap3A_144 = vector.shape_cast %swap3A_143 : vector<1x16xf32> to vector<16xf32>
      %swap3A_145 = vector.shape_cast %broadcast_in_dim3A_44 : vector<16xf32> to vector<1x16xf32>
      tpu.vector_store %arg8[%swap3A_141, %swap3A_142], %swap3A_145 {strides = array<i32>} : memref<128x128xf32, #tpu.memory_space<vmem>>, vector<1x16xf32>,
      %swap3A_146 = arith.index_cast %scan3A_111 : i32 to index
      %swap3A_147 = arith.constant 112 : index
      %swap3A_148 = tpu.vector_load %arg8[%swap3A_146, %swap3A_147] {strides = array<i32>} : memref<128x128xf32, #tpu.memory_space<vmem>>, vector<1x16xf32>,
      %swap3A_149 = vector.shape_cast %swap3A_148 : vector<1x16xf32> to vector<16xf32>
      %swap3A_150 = vector.shape_cast %broadcast_in_dim3A_44 : vector<16xf32> to vector<1x16xf32>
      tpu.vector_store %arg8[%swap3A_146, %swap3A_147], %swap3A_150 {strides = array<i32>} : memref<128x128xf32, #tpu.memory_space<vmem>>, vector<1x16xf32>,
    }
    %scan3A_49 = arith.constant 128 : i32
    %mul3A_50 = arith.constant 640 : i32
    %mul3A_51 = arith.muli %arg1, %mul3A_50 : i32
    %add3A_52 = arith.constant 0 : i32
    %add3A_53 = arith.addi %mul3A_51, %add3A_52 : i32
    "tpu.region"() ({
      %run_scoped3A = tpu.sem_alloc : memref<!tpu.dma_semaphore, #tpu.memory_space<semaphore_mem>>
      %dma_start3A_111 = arith.constant 0 : i32
      %dma_start3A_112 = tpu.memref_slice %arg10[%add3A_53, %dma_start3A_111] : memref<10240x128xf32, #tpu.memory_space<vmem_shared>> -> memref<128x128xf32, #tpu.memory_space<vmem_shared>>
      %dma_start3A_113 = arith.constant 0 : i32
      %dma_start3A_114 = tpu.memref_slice %arg10[%add3A_53, %dma_start3A_113] : memref<10240x128xf32, #tpu.memory_space<vmem_shared>> -> memref<128x128xf32, #tpu.memory_space<vmem_shared>>
      tpu.enqueue_dma source(%arg8 : memref<128x128xf32, #tpu.memory_space<vmem>>) target(%dma_start3A_114 : memref<128x128xf32, #tpu.memory_space<vmem_shared>>) target_semaphore(%run_scoped3A : memref<!tpu.dma_semaphore, #tpu.memory_space<semaphore_mem>>)
      %dma_wait3A_115 = arith.constant 0 : i32
      %dma_wait3A_116 = tpu.memref_slice %arg10[%add3A_53, %dma_wait3A_115] : memref<10240x128xf32, #tpu.memory_space<vmem_shared>> -> memref<128x128xf32, #tpu.memory_space<vmem_shared>>
      %dma_wait3A_117 = arith.constant 0 : i32
      %dma_wait3A_118 = tpu.memref_slice %arg10[%add3A_53, %dma_wait3A_117] : memref<10240x128xf32, #tpu.memory_space<vmem_shared>> -> memref<128x128xf32, #tpu.memory_space<vmem_shared>>
      tpu.wait_dma2 semaphore(%run_scoped3A : memref<!tpu.dma_semaphore, #tpu.memory_space<semaphore_mem>>) src(%arg8 : memref<128x128xf32, #tpu.memory_space<vmem>>) dst(%dma_wait3A_118 : memref<128x128xf32, #tpu.memory_space<vmem_shared>>)
      tpu.yield
    }) : () -> ()
    %add3A_54 = arith.constant 128 : i32
    %add3A_55 = arith.addi %mul3A_51, %add3A_54 : i32
    "tpu.region"() ({
      %run_scoped3A = tpu.sem_alloc : memref<!tpu.dma_semaphore, #tpu.memory_space<semaphore_mem>>
      %dma_start3A_111 = arith.constant 0 : i32
      %dma_start3A_112 = tpu.memref_slice %arg10[%add3A_55, %dma_start3A_111] : memref<10240x128xf32, #tpu.memory_space<vmem_shared>> -> memref<128x128xf32, #tpu.memory_space<vmem_shared>>
      %dma_start3A_113 = arith.constant 0 : i32
      %dma_start3A_114 = tpu.memref_slice %arg10[%add3A_55, %dma_start3A_113] : memref<10240x128xf32, #tpu.memory_space<vmem_shared>> -> memref<128x128xf32, #tpu.memory_space<vmem_shared>>
      tpu.enqueue_dma source(%arg8 : memref<128x128xf32, #tpu.memory_space<vmem>>) target(%dma_start3A_114 : memref<128x128xf32, #tpu.memory_space<vmem_shared>>) target_semaphore(%run_scoped3A : memref<!tpu.dma_semaphore, #tpu.memory_space<semaphore_mem>>)
      %dma_wait3A_115 = arith.constant 0 : i32
      %dma_wait3A_116 = tpu.memref_slice %arg10[%add3A_55, %dma_wait3A_115] : memref<10240x128xf32, #tpu.memory_space<vmem_shared>> -> memref<128x128xf32, #tpu.memory_space<vmem_shared>>
      %dma_wait3A_117 = arith.constant 0 : i32
      %dma_wait3A_118 = tpu.memref_slice %arg10[%add3A_55, %dma_wait3A_117] : memref<10240x128xf32, #tpu.memory_space<vmem_shared>> -> memref<128x128xf32, #tpu.memory_space<vmem_shared>>
      tpu.wait_dma2 semaphore(%run_scoped3A : memref<!tpu.dma_semaphore, #tpu.memory_space<semaphore_mem>>) src(%arg8 : memref<128x128xf32, #tpu.memory_space<vmem>>) dst(%dma_wait3A_118 : memref<128x128xf32, #tpu.memory_space<vmem_shared>>)
      tpu.yield
    }) : () -> ()
    %add3A_56 = arith.constant 256 : i32
    %add3A_57 = arith.addi %mul3A_51, %add3A_56 : i32
    "tpu.region"() ({
      %run_scoped3A = tpu.sem_alloc : memref<!tpu.dma_semaphore, #tpu.memory_space<semaphore_mem>>
      %dma_start3A_111 = arith.constant 0 : i32
      %dma_start3A_112 = tpu.memref_slice %arg10[%add3A_57, %dma_start3A_111] : memref<10240x128xf32, #tpu.memory_space<vmem_shared>> -> memref<128x128xf32, #tpu.memory_space<vmem_shared>>
      %dma_start3A_113 = arith.constant 0 : i32
      %dma_start3A_114 = tpu.memref_slice %arg10[%add3A_57, %dma_start3A_113] : memref<10240x128xf32, #tpu.memory_space<vmem_shared>> -> memref<128x128xf32, #tpu.memory_space<vmem_shared>>
      tpu.enqueue_dma source(%arg8 : memref<128x128xf32, #tpu.memory_space<vmem>>) target(%dma_start3A_114 : memref<128x128xf32, #tpu.memory_space<vmem_shared>>) target_semaphore(%run_scoped3A : memref<!tpu.dma_semaphore, #tpu.memory_space<semaphore_mem>>)
      %dma_wait3A_115 = arith.constant 0 : i32
      %dma_wait3A_116 = tpu.memref_slice %arg10[%add3A_57, %dma_wait3A_115] : memref<10240x128xf32, #tpu.memory_space<vmem_shared>> -> memref<128x128xf32, #tpu.memory_space<vmem_shared>>
      %dma_wait3A_117 = arith.constant 0 : i32
      %dma_wait3A_118 = tpu.memref_slice %arg10[%add3A_57, %dma_wait3A_117] : memref<10240x128xf32, #tpu.memory_space<vmem_shared>> -> memref<128x128xf32, #tpu.memory_space<vmem_shared>>
      tpu.wait_dma2 semaphore(%run_scoped3A : memref<!tpu.dma_semaphore, #tpu.memory_space<semaphore_mem>>) src(%arg8 : memref<128x128xf32, #tpu.memory_space<vmem>>) dst(%dma_wait3A_118 : memref<128x128xf32, #tpu.memory_space<vmem_shared>>)
      tpu.yield
    }) : () -> ()
    %add3A_58 = arith.constant 384 : i32
    %add3A_59 = arith.addi %mul3A_51, %add3A_58 : i32
    "tpu.region"() ({
      %run_scoped3A = tpu.sem_alloc : memref<!tpu.dma_semaphore, #tpu.memory_space<semaphore_mem>>
      %dma_start3A_111 = arith.constant 0 : i32
      %dma_start3A_112 = tpu.memref_slice %arg10[%add3A_59, %dma_start3A_111] : memref<10240x128xf32, #tpu.memory_space<vmem_shared>> -> memref<128x128xf32, #tpu.memory_space<vmem_shared>>
      %dma_start3A_113 = arith.constant 0 : i32
      %dma_start3A_114 = tpu.memref_slice %arg10[%add3A_59, %dma_start3A_113] : memref<10240x128xf32, #tpu.memory_space<vmem_shared>> -> memref<128x128xf32, #tpu.memory_space<vmem_shared>>
      tpu.enqueue_dma source(%arg8 : memref<128x128xf32, #tpu.memory_space<vmem>>) target(%dma_start3A_114 : memref<128x128xf32, #tpu.memory_space<vmem_shared>>) target_semaphore(%run_scoped3A : memref<!tpu.dma_semaphore, #tpu.memory_space<semaphore_mem>>)
      %dma_wait3A_115 = arith.constant 0 : i32
      %dma_wait3A_116 = tpu.memref_slice %arg10[%add3A_59, %dma_wait3A_115] : memref<10240x128xf32, #tpu.memory_space<vmem_shared>> -> memref<128x128xf32, #tpu.memory_space<vmem_shared>>
      %dma_wait3A_117 = arith.constant 0 : i32
      %dma_wait3A_118 = tpu.memref_slice %arg10[%add3A_59, %dma_wait3A_117] : memref<10240x128xf32, #tpu.memory_space<vmem_shared>> -> memref<128x128xf32, #tpu.memory_space<vmem_shared>>
      tpu.wait_dma2 semaphore(%run_scoped3A : memref<!tpu.dma_semaphore, #tpu.memory_space<semaphore_mem>>) src(%arg8 : memref<128x128xf32, #tpu.memory_space<vmem>>) dst(%dma_wait3A_118 : memref<128x128xf32, #tpu.memory_space<vmem_shared>>)
      tpu.yield
    }) : () -> ()
    %add3A_60 = arith.constant 512 : i32
    %add3A_61 = arith.addi %mul3A_51, %add3A_60 : i32
    "tpu.region"() ({
      %run_scoped3A = tpu.sem_alloc : memref<!tpu.dma_semaphore, #tpu.memory_space<semaphore_mem>>
      %dma_start3A_111 = arith.constant 0 : i32
      %dma_start3A_112 = tpu.memref_slice %arg10[%add3A_61, %dma_start3A_111] : memref<10240x128xf32, #tpu.memory_space<vmem_shared>> -> memref<128x128xf32, #tpu.memory_space<vmem_shared>>
      %dma_start3A_113 = arith.constant 0 : i32
      %dma_start3A_114 = tpu.memref_slice %arg10[%add3A_61, %dma_start3A_113] : memref<10240x128xf32, #tpu.memory_space<vmem_shared>> -> memref<128x128xf32, #tpu.memory_space<vmem_shared>>
      tpu.enqueue_dma source(%arg8 : memref<128x128xf32, #tpu.memory_space<vmem>>) target(%dma_start3A_114 : memref<128x128xf32, #tpu.memory_space<vmem_shared>>) target_semaphore(%run_scoped3A : memref<!tpu.dma_semaphore, #tpu.memory_space<semaphore_mem>>)
      %dma_wait3A_115 = arith.constant 0 : i32
      %dma_wait3A_116 = tpu.memref_slice %arg10[%add3A_61, %dma_wait3A_115] : memref<10240x128xf32, #tpu.memory_space<vmem_shared>> -> memref<128x128xf32, #tpu.memory_space<vmem_shared>>
      %dma_wait3A_117 = arith.constant 0 : i32
      %dma_wait3A_118 = tpu.memref_slice %arg10[%add3A_61, %dma_wait3A_117] : memref<10240x128xf32, #tpu.memory_space<vmem_shared>> -> memref<128x128xf32, #tpu.memory_space<vmem_shared>>
      tpu.wait_dma2 semaphore(%run_scoped3A : memref<!tpu.dma_semaphore, #tpu.memory_space<semaphore_mem>>) src(%arg8 : memref<128x128xf32, #tpu.memory_space<vmem>>) dst(%dma_wait3A_118 : memref<128x128xf32, #tpu.memory_space<vmem_shared>>)
      tpu.yield
    }) : () -> ()
    %dma_wait3A = arith.constant 0 : i32
    %dma_wait3A_62 = arith.constant 0 : i32
    %dma_wait3A_63 = tpu.memref_slice %arg4[%add3A, %dma_wait3A, %dma_wait3A_62] : memref<32x80x128xi32, #tpu.memory_space<hbm>> -> memref<1x80x128xi32, #tpu.memory_space<hbm>>
    %dma_wait3A_64 = tpu.memref_squeeze %dma_wait3A_63 : memref<1x80x128xi32, #tpu.memory_space<hbm>> -> memref<80x128xi32, #tpu.memory_space<hbm>>
    %dma_wait3A_65 = arith.constant 0 : i32
    %dma_wait3A_66 = arith.constant 0 : i32
    %dma_wait3A_67 = tpu.memref_slice %arg4[%add3A, %dma_wait3A_65, %dma_wait3A_66] : memref<32x80x128xi32, #tpu.memory_space<hbm>> -> memref<1x80x128xi32, #tpu.memory_space<hbm>>
    %dma_wait3A_68 = tpu.memref_squeeze %dma_wait3A_67 : memref<1x80x128xi32, #tpu.memory_space<hbm>> -> memref<80x128xi32, #tpu.memory_space<hbm>>
    tpu.wait_dma2 semaphore(%arg13 : memref<!tpu.dma_semaphore, #tpu.memory_space<semaphore_mem>>) src(%dma_wait3A_68 : memref<80x128xi32, #tpu.memory_space<hbm>>) dst(%arg7 : memref<80x128xi32, #tpu.memory_space<vmem>>)
    %dma_wait3A_69 = arith.constant 0 : i32
    %dma_wait3A_70 = arith.constant 0 : i32
    %dma_wait3A_71 = arith.constant 0 : i32
    %dma_wait3A_72 = arith.constant 0 : i32
    %dma_wait3A_73 = tpu.memref_slice %arg6[%dma_wait3A_70, %dma_wait3A_71, %dma_wait3A_72] : memref<2x2x128xi32, #tpu.memory_space<vmem>> -> memref<1x2x128xi32, #tpu.memory_space<vmem>>
    %dma_wait3A_74 = tpu.memref_squeeze %dma_wait3A_73 : memref<1x2x128xi32, #tpu.memory_space<vmem>> -> memref<2x128xi32, #tpu.memory_space<vmem>>
    %dma_wait3A_75 = arith.constant 0 : i32
    %dma_wait3A_76 = arith.constant 0 : i32
    %dma_wait3A_77 = tpu.memref_slice %arg3[%add3A, %dma_wait3A_69, %dma_wait3A_75, %dma_wait3A_76] : memref<32x42x2x128xi32, #tpu.memory_space<hbm>> -> memref<1x1x2x128xi32, #tpu.memory_space<hbm>>
    %dma_wait3A_78 = tpu.memref_squeeze %dma_wait3A_77 : memref<1x1x2x128xi32, #tpu.memory_space<hbm>> -> memref<2x128xi32, #tpu.memory_space<hbm>>
    %dma_wait3A_79 = arith.constant 0 : i32
    %dma_wait3A_80 = arith.constant 0 : i32
    %dma_wait3A_81 = tpu.memref_slice %arg6[%dma_wait3A_70, %dma_wait3A_79, %dma_wait3A_80] : memref<2x2x128xi32, #tpu.memory_space<vmem>> -> memref<1x2x128xi32, #tpu.memory_space<vmem>>
    %dma_wait3A_82 = tpu.memref_squeeze %dma_wait3A_81 : memref<1x2x128xi32, #tpu.memory_space<vmem>> -> memref<2x128xi32, #tpu.memory_space<vmem>>
    %dma_wait3A_83 = arith.constant 0 : i32
    %dma_wait3A_84 = arith.constant 0 : i32
    %dma_wait3A_85 = tpu.memref_slice %arg3[%add3A, %dma_wait3A_69, %dma_wait3A_83, %dma_wait3A_84] : memref<32x42x2x128xi32, #tpu.memory_space<hbm>> -> memref<1x1x2x128xi32, #tpu.memory_space<hbm>>
    %dma_wait3A_86 = tpu.memref_squeeze %dma_wait3A_85 : memref<1x1x2x128xi32, #tpu.memory_space<hbm>> -> memref<2x128xi32, #tpu.memory_space<hbm>>
    tpu.wait_dma2 semaphore(%arg14 : memref<!tpu.dma_semaphore, #tpu.memory_space<semaphore_mem>>) src(%dma_wait3A_86 : memref<2x128xi32, #tpu.memory_space<hbm>>) dst(%dma_wait3A_82 : memref<2x128xi32, #tpu.memory_space<vmem>>)
    %dma_wait3A_87 = arith.constant 1 : i32
    %dma_wait3A_88 = arith.constant 1 : i32
    %dma_wait3A_89 = arith.constant 0 : i32
    %dma_wait3A_90 = arith.constant 0 : i32
    %dma_wait3A_91 = tpu.memref_slice %arg6[%dma_wait3A_88, %dma_wait3A_89, %dma_wait3A_90] : memref<2x2x128xi32, #tpu.memory_space<vmem>> -> memref<1x2x128xi32, #tpu.memory_space<vmem>>
    %dma_wait3A_92 = tpu.memref_squeeze %dma_wait3A_91 : memref<1x2x128xi32, #tpu.memory_space<vmem>> -> memref<2x128xi32, #tpu.memory_space<vmem>>
    %dma_wait3A_93 = arith.constant 0 : i32
    %dma_wait3A_94 = arith.constant 0 : i32
    %dma_wait3A_95 = tpu.memref_slice %arg3[%add3A, %dma_wait3A_87, %dma_wait3A_93, %dma_wait3A_94] : memref<32x42x2x128xi32, #tpu.memory_space<hbm>> -> memref<1x1x2x128xi32, #tpu.memory_space<hbm>>
    %dma_wait3A_96 = tpu.memref_squeeze %dma_wait3A_95 : memref<1x1x2x128xi32, #tpu.memory_space<hbm>> -> memref<2x128xi32, #tpu.memory_space<hbm>>
    %dma_wait3A_97 = arith.constant 0 : i32
    %dma_wait3A_98 = arith.constant 0 : i32
    %dma_wait3A_99 = tpu.memref_slice %arg6[%dma_wait3A_88, %dma_wait3A_97, %dma_wait3A_98] : memref<2x2x128xi32, #tpu.memory_space<vmem>> -> memref<1x2x128xi32, #tpu.memory_space<vmem>>
    %dma_wait3A_100 = tpu.memref_squeeze %dma_wait3A_99 : memref<1x2x128xi32, #tpu.memory_space<vmem>> -> memref<2x128xi32, #tpu.memory_space<vmem>>
    %dma_wait3A_101 = arith.constant 0 : i32
    %dma_wait3A_102 = arith.constant 0 : i32
    %dma_wait3A_103 = tpu.memref_slice %arg3[%add3A, %dma_wait3A_87, %dma_wait3A_101, %dma_wait3A_102] : memref<32x42x2x128xi32, #tpu.memory_space<hbm>> -> memref<1x1x2x128xi32, #tpu.memory_space<hbm>>
    %dma_wait3A_104 = tpu.memref_squeeze %dma_wait3A_103 : memref<1x1x2x128xi32, #tpu.memory_space<hbm>> -> memref<2x128xi32, #tpu.memory_space<hbm>>
    tpu.wait_dma2 semaphore(%arg15 : memref<!tpu.dma_semaphore, #tpu.memory_space<semaphore_mem>>) src(%dma_wait3A_104 : memref<2x128xi32, #tpu.memory_space<hbm>>) dst(%dma_wait3A_100 : memref<2x128xi32, #tpu.memory_space<vmem>>)
    %barrier3A = arith.constant 0 : index
    tpu.barrier barrier_id(%barrier3A)
    %scan3A_105 = arith.constant 0 : i32
    %scan3A_106 = arith.constant 20 : i32
    %scan3A_107 = arith.addi %scan3A_105, %scan3A_106 : i32
    %scan3A_108 = arith.constant 1 : i32
    scf.for %scan3A_111 = %scan3A_105 to %scan3A_107 step %scan3A_108  : i32 {
      %mul3A_112 = arith.constant 1 : i32
      %mul3A_113 = arith.muli %scan3A_111, %mul3A_112 : i32
      %add3A_114 = arith.constant 0 : i32
      %add3A_115 = arith.addi %add3A_114, %mul3A_113 : i32
      %mul3A_116 = arith.constant 4 : i32
      %mul3A_117 = arith.muli %mul3A_116, %add3A_115 : i32
      %dma_start3A_118 = arith.constant 0 : i32
      %dma_start3A_119 = arith.constant 0 : i32
      %dma_start3A_120 = arith.constant 0 : i32
      %dma_start3A_121 = tpu.memref_slice %arg6[%dma_start3A_118, %dma_start3A_119, %dma_start3A_120] : memref<2x2x128xi32, #tpu.memory_space<vmem>> -> memref<1x1x128xi32, #tpu.memory_space<vmem>>
      %dma_start3A_122 = tpu.memref_squeeze %dma_start3A_121 : memref<1x1x128xi32, #tpu.memory_space<vmem>> -> memref<128xi32, #tpu.memory_space<vmem>>
      %dma_start3A_123 = arith.constant 0 : i32
      %dma_start3A_124 = arith.constant 0 : i32
      %dma_start3A_125 = tpu.memref_slice %arg2[%dma_start3A_123, %dma_start3A_124] : memref<10000x128xf32, #tpu.memory_space<hbm>> -> memref<10000x128xf32, #tpu.memory_space<hbm>>
      tpu.enqueue_indirect_dma source(%dma_start3A_125 : memref<10000x128xf32, #tpu.memory_space<hbm>>) target(%arg8 : memref<128x128xf32, #tpu.memory_space<vmem>>) offsets(%dma_start3A_122 : memref<128xi32, #tpu.memory_space<vmem>>) semaphore(%arg11 : memref<!tpu.dma_semaphore, #tpu.memory_space<semaphore_mem>>)
      %dma_start3A_126 = arith.constant 0 : i32
      %dma_start3A_127 = arith.constant 1 : i32
      %dma_start3A_128 = arith.constant 0 : i32
      %dma_start3A_129 = tpu.memref_slice %arg6[%dma_start3A_126, %dma_start3A_127, %dma_start3A_128] : memref<2x2x128xi32, #tpu.memory_space<vmem>> -> memref<1x1x128xi32, #tpu.memory_space<vmem>>
      %dma_start3A_130 = tpu.memref_squeeze %dma_start3A_129 : memref<1x1x128xi32, #tpu.memory_space<vmem>> -> memref<128xi32, #tpu.memory_space<vmem>>
      %dma_start3A_131 = arith.constant 0 : i32
      %dma_start3A_132 = arith.constant 0 : i32
      %dma_start3A_133 = tpu.memref_slice %arg2[%dma_start3A_131, %dma_start3A_132] : memref<10000x128xf32, #tpu.memory_space<hbm>> -> memref<10000x128xf32, #tpu.memory_space<hbm>>
      tpu.enqueue_indirect_dma source(%dma_start3A_133 : memref<10000x128xf32, #tpu.memory_space<hbm>>) target(%arg9 : memref<128x128xf32, #tpu.memory_space<vmem>>) offsets(%dma_start3A_130 : memref<128xi32, #tpu.memory_space<vmem>>) semaphore(%arg12 : memref<!tpu.dma_semaphore, #tpu.memory_space<semaphore_mem>>)
      %dma_wait3A_134 = arith.constant 0 : i32
      %dma_wait3A_135 = arith.constant 0 : i32
      %dma_wait3A_136 = arith.constant 0 : i32
      %dma_wait3A_137 = tpu.memref_slice %arg6[%dma_wait3A_134, %dma_wait3A_135, %dma_wait3A_136] : memref<2x2x128xi32, #tpu.memory_space<vmem>> -> memref<1x1x128xi32, #tpu.memory_space<vmem>>
      %dma_wait3A_138 = tpu.memref_squeeze %dma_wait3A_137 : memref<1x1x128xi32, #tpu.memory_space<vmem>> -> memref<128xi32, #tpu.memory_space<vmem>>
      %dma_wait3A_139 = arith.constant 0 : i32
      %dma_wait3A_140 = arith.constant 0 : i32
      %dma_wait3A_141 = tpu.memref_slice %arg2[%dma_wait3A_139, %dma_wait3A_140] : memref<10000x128xf32, #tpu.memory_space<hbm>> -> memref<10000x128xf32, #tpu.memory_space<hbm>>
      tpu.wait_indirect_dma semaphore(%arg11 : memref<!tpu.dma_semaphore, #tpu.memory_space<semaphore_mem>>) src(%dma_wait3A_141 : memref<10000x128xf32, #tpu.memory_space<hbm>>) dst(%arg8 : memref<128x128xf32, #tpu.memory_space<vmem>>)
      %dma_start3A_142 = arith.constant 0 : i32
      %dma_start3A_143 = tpu.memref_slice %arg7[%mul3A_117, %dma_start3A_142] : memref<80x128xi32, #tpu.memory_space<vmem>> -> memref<1x128xi32, #tpu.memory_space<vmem>>
      %dma_start3A_144 = tpu.memref_squeeze %dma_start3A_143 : memref<1x128xi32, #tpu.memory_space<vmem>> -> memref<128xi32, #tpu.memory_space<vmem>>
      %dma_start3A_145 = arith.constant 0 : i32
      %dma_start3A_146 = arith.constant 0 : i32
      %dma_start3A_147 = tpu.memref_slice %arg10[%dma_start3A_145, %dma_start3A_146] : memref<10240x128xf32, #tpu.memory_space<vmem_shared>> -> memref<10240x128xf32, #tpu.memory_space<vmem_shared>>
      tpu.enqueue_indirect_dma source(%arg8 : memref<128x128xf32, #tpu.memory_space<vmem>>) target(%dma_start3A_147 : memref<10240x128xf32, #tpu.memory_space<vmem_shared>>) offsets(%dma_start3A_144 : memref<128xi32, #tpu.memory_space<vmem>>) semaphore(%arg14 : memref<!tpu.dma_semaphore, #tpu.memory_space<semaphore_mem>>) {add = true}
      %dma_wait3A_148 = arith.constant 0 : i32
      %dma_wait3A_149 = arith.constant 1 : i32
      %dma_wait3A_150 = arith.constant 0 : i32
      %dma_wait3A_151 = tpu.memref_slice %arg6[%dma_wait3A_148, %dma_wait3A_149, %dma_wait3A_150] : memref<2x2x128xi32, #tpu.memory_space<vmem>> -> memref<1x1x128xi32, #tpu.memory_space<vmem>>
      %dma_wait3A_152 = tpu.memref_squeeze %dma_wait3A_151 : memref<1x1x128xi32, #tpu.memory_space<vmem>> -> memref<128xi32, #tpu.memory_space<vmem>>
      %dma_wait3A_153 = arith.constant 0 : i32
      %dma_wait3A_154 = arith.constant 0 : i32
      %dma_wait3A_155 = tpu.memref_slice %arg2[%dma_wait3A_153, %dma_wait3A_154] : memref<10000x128xf32, #tpu.memory_space<hbm>> -> memref<10000x128xf32, #tpu.memory_space<hbm>>
      tpu.wait_indirect_dma semaphore(%arg12 : memref<!tpu.dma_semaphore, #tpu.memory_space<semaphore_mem>>) src(%dma_wait3A_155 : memref<10000x128xf32, #tpu.memory_space<hbm>>) dst(%arg9 : memref<128x128xf32, #tpu.memory_space<vmem>>)
      %add3A_156 = arith.constant 1 : i32
      %add3A_157 = arith.addi %mul3A_117, %add3A_156 : i32
      %dma_start3A_158 = arith.constant 0 : i32
      %dma_start3A_159 = tpu.memref_slice %arg7[%add3A_157, %dma_start3A_158] : memref<80x128xi32, #tpu.memory_space<vmem>> -> memref<1x128xi32, #tpu.memory_space<vmem>>
      %dma_start3A_160 = tpu.memref_squeeze %dma_start3A_159 : memref<1x128xi32, #tpu.memory_space<vmem>> -> memref<128xi32, #tpu.memory_space<vmem>>
      %dma_start3A_161 = arith.constant 0 : i32
      %dma_start3A_162 = arith.constant 0 : i32
      %dma_start3A_163 = tpu.memref_slice %arg10[%dma_start3A_161, %dma_start3A_162] : memref<10240x128xf32, #tpu.memory_space<vmem_shared>> -> memref<10240x128xf32, #tpu.memory_space<vmem_shared>>
      tpu.enqueue_indirect_dma source(%arg9 : memref<128x128xf32, #tpu.memory_space<vmem>>) target(%dma_start3A_163 : memref<10240x128xf32, #tpu.memory_space<vmem_shared>>) offsets(%dma_start3A_160 : memref<128xi32, #tpu.memory_space<vmem>>) semaphore(%arg15 : memref<!tpu.dma_semaphore, #tpu.memory_space<semaphore_mem>>) {add = true}
      %mul3A_164 = arith.constant 2 : i32
      %mul3A_165 = arith.muli %mul3A_164, %add3A_115 : i32
      %add3A_166 = arith.constant 2 : i32
      %add3A_167 = arith.addi %mul3A_165, %add3A_166 : i32
      %dma_start3A_168 = arith.constant 0 : i32
      %dma_start3A_169 = arith.constant 0 : i32
      %dma_start3A_170 = arith.constant 0 : i32
      %dma_start3A_171 = tpu.memref_slice %arg6[%dma_start3A_168, %dma_start3A_169, %dma_start3A_170] : memref<2x2x128xi32, #tpu.memory_space<vmem>> -> memref<1x2x128xi32, #tpu.memory_space<vmem>>
      %dma_start3A_172 = tpu.memref_squeeze %dma_start3A_171 : memref<1x2x128xi32, #tpu.memory_space<vmem>> -> memref<2x128xi32, #tpu.memory_space<vmem>>
      %dma_start3A_173 = arith.constant 0 : i32
      %dma_start3A_174 = arith.constant 0 : i32
      %dma_start3A_175 = tpu.memref_slice %arg3[%add3A, %add3A_167, %dma_start3A_173, %dma_start3A_174] : memref<32x42x2x128xi32, #tpu.memory_space<hbm>> -> memref<1x1x2x128xi32, #tpu.memory_space<hbm>>
      %dma_start3A_176 = tpu.memref_squeeze %dma_start3A_175 : memref<1x1x2x128xi32, #tpu.memory_space<hbm>> -> memref<2x128xi32, #tpu.memory_space<hbm>>
      %dma_start3A_177 = arith.constant 0 : i32
      %dma_start3A_178 = arith.constant 0 : i32
      %dma_start3A_179 = tpu.memref_slice %arg6[%dma_start3A_168, %dma_start3A_177, %dma_start3A_178] : memref<2x2x128xi32, #tpu.memory_space<vmem>> -> memref<1x2x128xi32, #tpu.memory_space<vmem>>
      %dma_start3A_180 = tpu.memref_squeeze %dma_start3A_179 : memref<1x2x128xi32, #tpu.memory_space<vmem>> -> memref<2x128xi32, #tpu.memory_space<vmem>>
      %dma_start3A_181 = arith.constant 0 : i32
      %dma_start3A_182 = arith.constant 0 : i32
      %dma_start3A_183 = tpu.memref_slice %arg3[%add3A, %add3A_167, %dma_start3A_181, %dma_start3A_182] : memref<32x42x2x128xi32, #tpu.memory_space<hbm>> -> memref<1x1x2x128xi32, #tpu.memory_space<hbm>>
      %dma_start3A_184 = tpu.memref_squeeze %dma_start3A_183 : memref<1x1x2x128xi32, #tpu.memory_space<hbm>> -> memref<2x128xi32, #tpu.memory_space<hbm>>
      tpu.enqueue_dma source(%dma_start3A_184 : memref<2x128xi32, #tpu.memory_space<hbm>>) target(%dma_start3A_180 : memref<2x128xi32, #tpu.memory_space<vmem>>) target_semaphore(%arg13 : memref<!tpu.dma_semaphore, #tpu.memory_space<semaphore_mem>>)
      %dma_wait3A_185 = arith.constant 0 : i32
      %dma_wait3A_186 = tpu.memref_slice %arg7[%mul3A_117, %dma_wait3A_185] : memref<80x128xi32, #tpu.memory_space<vmem>> -> memref<1x128xi32, #tpu.memory_space<vmem>>
      %dma_wait3A_187 = tpu.memref_squeeze %dma_wait3A_186 : memref<1x128xi32, #tpu.memory_space<vmem>> -> memref<128xi32, #tpu.memory_space<vmem>>
      %dma_wait3A_188 = arith.constant 0 : i32
      %dma_wait3A_189 = arith.constant 0 : i32
      %dma_wait3A_190 = tpu.memref_slice %arg10[%dma_wait3A_188, %dma_wait3A_189] : memref<10240x128xf32, #tpu.memory_space<vmem_shared>> -> memref<10240x128xf32, #tpu.memory_space<vmem_shared>>
      tpu.wait_indirect_dma semaphore(%arg14 : memref<!tpu.dma_semaphore, #tpu.memory_space<semaphore_mem>>) src(%arg8 : memref<128x128xf32, #tpu.memory_space<vmem>>) dst(%dma_wait3A_190 : memref<10240x128xf32, #tpu.memory_space<vmem_shared>>)
      %dma_start3A_191 = arith.constant 1 : i32
      %dma_start3A_192 = arith.constant 0 : i32
      %dma_start3A_193 = arith.constant 0 : i32
      %dma_start3A_194 = tpu.memref_slice %arg6[%dma_start3A_191, %dma_start3A_192, %dma_start3A_193] : memref<2x2x128xi32, #tpu.memory_space<vmem>> -> memref<1x1x128xi32, #tpu.memory_space<vmem>>
      %dma_start3A_195 = tpu.memref_squeeze %dma_start3A_194 : memref<1x1x128xi32, #tpu.memory_space<vmem>> -> memref<128xi32, #tpu.memory_space<vmem>>
      %dma_start3A_196 = arith.constant 0 : i32
      %dma_start3A_197 = arith.constant 0 : i32
      %dma_start3A_198 = tpu.memref_slice %arg2[%dma_start3A_196, %dma_start3A_197] : memref<10000x128xf32, #tpu.memory_space<hbm>> -> memref<10000x128xf32, #tpu.memory_space<hbm>>
      tpu.enqueue_indirect_dma source(%dma_start3A_198 : memref<10000x128xf32, #tpu.memory_space<hbm>>) target(%arg8 : memref<128x128xf32, #tpu.memory_space<vmem>>) offsets(%dma_start3A_195 : memref<128xi32, #tpu.memory_space<vmem>>) semaphore(%arg11 : memref<!tpu.dma_semaphore, #tpu.memory_space<semaphore_mem>>)
      %dma_wait3A_199 = arith.constant 0 : i32
      %dma_wait3A_200 = tpu.memref_slice %arg7[%add3A_157, %dma_wait3A_199] : memref<80x128xi32, #tpu.memory_space<vmem>> -> memref<1x128xi32, #tpu.memory_space<vmem>>
      %dma_wait3A_201 = tpu.memref_squeeze %dma_wait3A_200 : memref<1x128xi32, #tpu.memory_space<vmem>> -> memref<128xi32, #tpu.memory_space<vmem>>
      %dma_wait3A_202 = arith.constant 0 : i32
      %dma_wait3A_203 = arith.constant 0 : i32
      %dma_wait3A_204 = tpu.memref_slice %arg10[%dma_wait3A_202, %dma_wait3A_203] : memref<10240x128xf32, #tpu.memory_space<vmem_shared>> -> memref<10240x128xf32, #tpu.memory_space<vmem_shared>>
      tpu.wait_indirect_dma semaphore(%arg15 : memref<!tpu.dma_semaphore, #tpu.memory_space<semaphore_mem>>) src(%arg9 : memref<128x128xf32, #tpu.memory_space<vmem>>) dst(%dma_wait3A_204 : memref<10240x128xf32, #tpu.memory_space<vmem_shared>>)
      %dma_start3A_205 = arith.constant 1 : i32
      %dma_start3A_206 = arith.constant 1 : i32
      %dma_start3A_207 = arith.constant 0 : i32
      %dma_start3A_208 = tpu.memref_slice %arg6[%dma_start3A_205, %dma_start3A_206, %dma_start3A_207] : memref<2x2x128xi32, #tpu.memory_space<vmem>> -> memref<1x1x128xi32, #tpu.memory_space<vmem>>
      %dma_start3A_209 = tpu.memref_squeeze %dma_start3A_208 : memref<1x1x128xi32, #tpu.memory_space<vmem>> -> memref<128xi32, #tpu.memory_space<vmem>>
      %dma_start3A_210 = arith.constant 0 : i32
      %dma_start3A_211 = arith.constant 0 : i32
      %dma_start3A_212 = tpu.memref_slice %arg2[%dma_start3A_210, %dma_start3A_211] : memref<10000x128xf32, #tpu.memory_space<hbm>> -> memref<10000x128xf32, #tpu.memory_space<hbm>>
      tpu.enqueue_indirect_dma source(%dma_start3A_212 : memref<10000x128xf32, #tpu.memory_space<hbm>>) target(%arg9 : memref<128x128xf32, #tpu.memory_space<vmem>>) offsets(%dma_start3A_209 : memref<128xi32, #tpu.memory_space<vmem>>) semaphore(%arg12 : memref<!tpu.dma_semaphore, #tpu.memory_space<semaphore_mem>>)
      %dma_wait3A_213 = arith.constant 1 : i32
      %dma_wait3A_214 = arith.constant 0 : i32
      %dma_wait3A_215 = arith.constant 0 : i32
      %dma_wait3A_216 = tpu.memref_slice %arg6[%dma_wait3A_213, %dma_wait3A_214, %dma_wait3A_215] : memref<2x2x128xi32, #tpu.memory_space<vmem>> -> memref<1x1x128xi32, #tpu.memory_space<vmem>>
      %dma_wait3A_217 = tpu.memref_squeeze %dma_wait3A_216 : memref<1x1x128xi32, #tpu.memory_space<vmem>> -> memref<128xi32, #tpu.memory_space<vmem>>
      %dma_wait3A_218 = arith.constant 0 : i32
      %dma_wait3A_219 = arith.constant 0 : i32
      %dma_wait3A_220 = tpu.memref_slice %arg2[%dma_wait3A_218, %dma_wait3A_219] : memref<10000x128xf32, #tpu.memory_space<hbm>> -> memref<10000x128xf32, #tpu.memory_space<hbm>>
      tpu.wait_indirect_dma semaphore(%arg11 : memref<!tpu.dma_semaphore, #tpu.memory_space<semaphore_mem>>) src(%dma_wait3A_220 : memref<10000x128xf32, #tpu.memory_space<hbm>>) dst(%arg8 : memref<128x128xf32, #tpu.memory_space<vmem>>)
      %add3A_221 = arith.constant 2 : i32
      %add3A_222 = arith.addi %mul3A_117, %add3A_221 : i32
      %dma_start3A_223 = arith.constant 0 : i32
      %dma_start3A_224 = tpu.memref_slice %arg7[%add3A_222, %dma_start3A_223] : memref<80x128xi32, #tpu.memory_space<vmem>> -> memref<1x128xi32, #tpu.memory_space<vmem>>
      %dma_start3A_225 = tpu.memref_squeeze %dma_start3A_224 : memref<1x128xi32, #tpu.memory_space<vmem>> -> memref<128xi32, #tpu.memory_space<vmem>>
      %dma_start3A_226 = arith.constant 0 : i32
      %dma_start3A_227 = arith.constant 0 : i32
      %dma_start3A_228 = tpu.memref_slice %arg10[%dma_start3A_226, %dma_start3A_227] : memref<10240x128xf32, #tpu.memory_space<vmem_shared>> -> memref<10240x128xf32, #tpu.memory_space<vmem_shared>>
      tpu.enqueue_indirect_dma source(%arg8 : memref<128x128xf32, #tpu.memory_space<vmem>>) target(%dma_start3A_228 : memref<10240x128xf32, #tpu.memory_space<vmem_shared>>) offsets(%dma_start3A_225 : memref<128xi32, #tpu.memory_space<vmem>>) semaphore(%arg14 : memref<!tpu.dma_semaphore, #tpu.memory_space<semaphore_mem>>) {add = true}
      %dma_wait3A_229 = arith.constant 1 : i32
      %dma_wait3A_230 = arith.constant 1 : i32
      %dma_wait3A_231 = arith.constant 0 : i32
      %dma_wait3A_232 = tpu.memref_slice %arg6[%dma_wait3A_229, %dma_wait3A_230, %dma_wait3A_231] : memref<2x2x128xi32, #tpu.memory_space<vmem>> -> memref<1x1x128xi32, #tpu.memory_space<vmem>>
      %dma_wait3A_233 = tpu.memref_squeeze %dma_wait3A_232 : memref<1x1x128xi32, #tpu.memory_space<vmem>> -> memref<128xi32, #tpu.memory_space<vmem>>
      %dma_wait3A_234 = arith.constant 0 : i32
      %dma_wait3A_235 = arith.constant 0 : i32
      %dma_wait3A_236 = tpu.memref_slice %arg2[%dma_wait3A_234, %dma_wait3A_235] : memref<10000x128xf32, #tpu.memory_space<hbm>> -> memref<10000x128xf32, #tpu.memory_space<hbm>>
      tpu.wait_indirect_dma semaphore(%arg12 : memref<!tpu.dma_semaphore, #tpu.memory_space<semaphore_mem>>) src(%dma_wait3A_236 : memref<10000x128xf32, #tpu.memory_space<hbm>>) dst(%arg9 : memref<128x128xf32, #tpu.memory_space<vmem>>)
      %add3A_237 = arith.constant 3 : i32
      %add3A_238 = arith.addi %mul3A_117, %add3A_237 : i32
      %dma_start3A_239 = arith.constant 0 : i32
      %dma_start3A_240 = tpu.memref_slice %arg7[%add3A_238, %dma_start3A_239] : memref<80x128xi32, #tpu.memory_space<vmem>> -> memref<1x128xi32, #tpu.memory_space<vmem>>
      %dma_start3A_241 = tpu.memref_squeeze %dma_start3A_240 : memref<1x128xi32, #tpu.memory_space<vmem>> -> memref<128xi32, #tpu.memory_space<vmem>>
      %dma_start3A_242 = arith.constant 0 : i32
      %dma_start3A_243 = arith.constant 0 : i32
      %dma_start3A_244 = tpu.memref_slice %arg10[%dma_start3A_242, %dma_start3A_243] : memref<10240x128xf32, #tpu.memory_space<vmem_shared>> -> memref<10240x128xf32, #tpu.memory_space<vmem_shared>>
      tpu.enqueue_indirect_dma source(%arg9 : memref<128x128xf32, #tpu.memory_space<vmem>>) target(%dma_start3A_244 : memref<10240x128xf32, #tpu.memory_space<vmem_shared>>) offsets(%dma_start3A_241 : memref<128xi32, #tpu.memory_space<vmem>>) semaphore(%arg15 : memref<!tpu.dma_semaphore, #tpu.memory_space<semaphore_mem>>) {add = true}
      %mul3A_245 = arith.constant 2 : i32
      %mul3A_246 = arith.muli %mul3A_245, %add3A_115 : i32
      %add3A_247 = arith.constant 3 : i32
      %add3A_248 = arith.addi %mul3A_246, %add3A_247 : i32
      %dma_start3A_249 = arith.constant 1 : i32
      %dma_start3A_250 = arith.constant 0 : i32
      %dma_start3A_251 = arith.constant 0 : i32
      %dma_start3A_252 = tpu.memref_slice %arg6[%dma_start3A_249, %dma_start3A_250, %dma_start3A_251] : memref<2x2x128xi32, #tpu.memory_space<vmem>> -> memref<1x2x128xi32, #tpu.memory_space<vmem>>
      %dma_start3A_253 = tpu.memref_squeeze %dma_start3A_252 : memref<1x2x128xi32, #tpu.memory_space<vmem>> -> memref<2x128xi32, #tpu.memory_space<vmem>>
      %dma_start3A_254 = arith.constant 0 : i32
      %dma_start3A_255 = arith.constant 0 : i32
      %dma_start3A_256 = tpu.memref_slice %arg3[%add3A, %add3A_248, %dma_start3A_254, %dma_start3A_255] : memref<32x42x2x128xi32, #tpu.memory_space<hbm>> -> memref<1x1x2x128xi32, #tpu.memory_space<hbm>>
      %dma_start3A_257 = tpu.memref_squeeze %dma_start3A_256 : memref<1x1x2x128xi32, #tpu.memory_space<hbm>> -> memref<2x128xi32, #tpu.memory_space<hbm>>
      %dma_start3A_258 = arith.constant 0 : i32
      %dma_start3A_259 = arith.constant 0 : i32
      %dma_start3A_260 = tpu.memref_slice %arg6[%dma_start3A_249, %dma_start3A_258, %dma_start3A_259] : memref<2x2x128xi32, #tpu.memory_space<vmem>> -> memref<1x2x128xi32, #tpu.memory_space<vmem>>
      %dma_start3A_261 = tpu.memref_squeeze %dma_start3A_260 : memref<1x2x128xi32, #tpu.memory_space<vmem>> -> memref<2x128xi32, #tpu.memory_space<vmem>>
      %dma_start3A_262 = arith.constant 0 : i32
      %dma_start3A_263 = arith.constant 0 : i32
      %dma_start3A_264 = tpu.memref_slice %arg3[%add3A, %add3A_248, %dma_start3A_262, %dma_start3A_263] : memref<32x42x2x128xi32, #tpu.memory_space<hbm>> -> memref<1x1x2x128xi32, #tpu.memory_space<hbm>>
      %dma_start3A_265 = tpu.memref_squeeze %dma_start3A_264 : memref<1x1x2x128xi32, #tpu.memory_space<hbm>> -> memref<2x128xi32, #tpu.memory_space<hbm>>
      tpu.enqueue_dma source(%dma_start3A_265 : memref<2x128xi32, #tpu.memory_space<hbm>>) target(%dma_start3A_261 : memref<2x128xi32, #tpu.memory_space<vmem>>) target_semaphore(%arg13 : memref<!tpu.dma_semaphore, #tpu.memory_space<semaphore_mem>>)
      %dma_wait3A_266 = arith.constant 0 : i32
      %dma_wait3A_267 = tpu.memref_slice %arg7[%add3A_222, %dma_wait3A_266] : memref<80x128xi32, #tpu.memory_space<vmem>> -> memref<1x128xi32, #tpu.memory_space<vmem>>
      %dma_wait3A_268 = tpu.memref_squeeze %dma_wait3A_267 : memref<1x128xi32, #tpu.memory_space<vmem>> -> memref<128xi32, #tpu.memory_space<vmem>>
      %dma_wait3A_269 = arith.constant 0 : i32
      %dma_wait3A_270 = arith.constant 0 : i32
      %dma_wait3A_271 = tpu.memref_slice %arg10[%dma_wait3A_269, %dma_wait3A_270] : memref<10240x128xf32, #tpu.memory_space<vmem_shared>> -> memref<10240x128xf32, #tpu.memory_space<vmem_shared>>
      tpu.wait_indirect_dma semaphore(%arg14 : memref<!tpu.dma_semaphore, #tpu.memory_space<semaphore_mem>>) src(%arg8 : memref<128x128xf32, #tpu.memory_space<vmem>>) dst(%dma_wait3A_271 : memref<10240x128xf32, #tpu.memory_space<vmem_shared>>)
      %dma_wait3A_272 = arith.constant 0 : i32
      %dma_wait3A_273 = tpu.memref_slice %arg7[%add3A_238, %dma_wait3A_272] : memref<80x128xi32, #tpu.memory_space<vmem>> -> memref<1x128xi32, #tpu.memory_space<vmem>>
      %dma_wait3A_274 = tpu.memref_squeeze %dma_wait3A_273 : memref<1x128xi32, #tpu.memory_space<vmem>> -> memref<128xi32, #tpu.memory_space<vmem>>
      %dma_wait3A_275 = arith.constant 0 : i32
      %dma_wait3A_276 = arith.constant 0 : i32
      %dma_wait3A_277 = tpu.memref_slice %arg10[%dma_wait3A_275, %dma_wait3A_276] : memref<10240x128xf32, #tpu.memory_space<vmem_shared>> -> memref<10240x128xf32, #tpu.memory_space<vmem_shared>>
      tpu.wait_indirect_dma semaphore(%arg15 : memref<!tpu.dma_semaphore, #tpu.memory_space<semaphore_mem>>) src(%arg9 : memref<128x128xf32, #tpu.memory_space<vmem>>) dst(%dma_wait3A_277 : memref<10240x128xf32, #tpu.memory_space<vmem_shared>>)
      %dma_wait3A_278 = arith.constant 0 : i32
      %dma_wait3A_279 = arith.constant 0 : i32
      %dma_wait3A_280 = arith.constant 0 : i32
      %dma_wait3A_281 = tpu.memref_slice %arg6[%dma_wait3A_278, %dma_wait3A_279, %dma_wait3A_280] : memref<2x2x128xi32, #tpu.memory_space<vmem>> -> memref<1x2x128xi32, #tpu.memory_space<vmem>>
      %dma_wait3A_282 = tpu.memref_squeeze %dma_wait3A_281 : memref<1x2x128xi32, #tpu.memory_space<vmem>> -> memref<2x128xi32, #tpu.memory_space<vmem>>
      %dma_wait3A_283 = arith.constant 0 : i32
      %dma_wait3A_284 = arith.constant 0 : i32
      %dma_wait3A_285 = tpu.memref_slice %arg3[%add3A, %add3A_167, %dma_wait3A_283, %dma_wait3A_284] : memref<32x42x2x128xi32, #tpu.memory_space<hbm>> -> memref<1x1x2x128xi32, #tpu.memory_space<hbm>>
      %dma_wait3A_286 = tpu.memref_squeeze %dma_wait3A_285 : memref<1x1x2x128xi32, #tpu.memory_space<hbm>> -> memref<2x128xi32, #tpu.memory_space<hbm>>
      %dma_wait3A_287 = arith.constant 0 : i32
      %dma_wait3A_288 = arith.constant 0 : i32
      %dma_wait3A_289 = tpu.memref_slice %arg6[%dma_wait3A_278, %dma_wait3A_287, %dma_wait3A_288] : memref<2x2x128xi32, #tpu.memory_space<vmem>> -> memref<1x2x128xi32, #tpu.memory_space<vmem>>
      %dma_wait3A_290 = tpu.memref_squeeze %dma_wait3A_289 : memref<1x2x128xi32, #tpu.memory_space<vmem>> -> memref<2x128xi32, #tpu.memory_space<vmem>>
      %dma_wait3A_291 = arith.constant 0 : i32
      %dma_wait3A_292 = arith.constant 0 : i32
      %dma_wait3A_293 = tpu.memref_slice %arg3[%add3A, %add3A_167, %dma_wait3A_291, %dma_wait3A_292] : memref<32x42x2x128xi32, #tpu.memory_space<hbm>> -> memref<1x1x2x128xi32, #tpu.memory_space<hbm>>
      %dma_wait3A_294 = tpu.memref_squeeze %dma_wait3A_293 : memref<1x1x2x128xi32, #tpu.memory_space<hbm>> -> memref<2x128xi32, #tpu.memory_space<hbm>>
      tpu.wait_dma2 semaphore(%arg13 : memref<!tpu.dma_semaphore, #tpu.memory_space<semaphore_mem>>) src(%dma_wait3A_294 : memref<2x128xi32, #tpu.memory_space<hbm>>) dst(%dma_wait3A_290 : memref<2x128xi32, #tpu.memory_space<vmem>>)
      %dma_wait3A_295 = arith.constant 1 : i32
      %dma_wait3A_296 = arith.constant 0 : i32
      %dma_wait3A_297 = arith.constant 0 : i32
      %dma_wait3A_298 = tpu.memref_slice %arg6[%dma_wait3A_295, %dma_wait3A_296, %dma_wait3A_297] : memref<2x2x128xi32, #tpu.memory_space<vmem>> -> memref<1x2x128xi32, #tpu.memory_space<vmem>>
      %dma_wait3A_299 = tpu.memref_squeeze %dma_wait3A_298 : memref<1x2x128xi32, #tpu.memory_space<vmem>> -> memref<2x128xi32, #tpu.memory_space<vmem>>
      %dma_wait3A_300 = arith.constant 0 : i32
      %dma_wait3A_301 = arith.constant 0 : i32
      %dma_wait3A_302 = tpu.memref_slice %arg3[%add3A, %add3A_248, %dma_wait3A_300, %dma_wait3A_301] : memref<32x42x2x128xi32, #tpu.memory_space<hbm>> -> memref<1x1x2x128xi32, #tpu.memory_space<hbm>>
      %dma_wait3A_303 = tpu.memref_squeeze %dma_wait3A_302 : memref<1x1x2x128xi32, #tpu.memory_space<hbm>> -> memref<2x128xi32, #tpu.memory_space<hbm>>
      %dma_wait3A_304 = arith.constant 0 : i32
      %dma_wait3A_305 = arith.constant 0 : i32
      %dma_wait3A_306 = tpu.memref_slice %arg6[%dma_wait3A_295, %dma_wait3A_304, %dma_wait3A_305] : memref<2x2x128xi32, #tpu.memory_space<vmem>> -> memref<1x2x128xi32, #tpu.memory_space<vmem>>
      %dma_wait3A_307 = tpu.memref_squeeze %dma_wait3A_306 : memref<1x2x128xi32, #tpu.memory_space<vmem>> -> memref<2x128xi32, #tpu.memory_space<vmem>>
      %dma_wait3A_308 = arith.constant 0 : i32
      %dma_wait3A_309 = arith.constant 0 : i32
      %dma_wait3A_310 = tpu.memref_slice %arg3[%add3A, %add3A_248, %dma_wait3A_308, %dma_wait3A_309] : memref<32x42x2x128xi32, #tpu.memory_space<hbm>> -> memref<1x1x2x128xi32, #tpu.memory_space<hbm>>
      %dma_wait3A_311 = tpu.memref_squeeze %dma_wait3A_310 : memref<1x1x2x128xi32, #tpu.memory_space<hbm>> -> memref<2x128xi32, #tpu.memory_space<hbm>>
      tpu.wait_dma2 semaphore(%arg13 : memref<!tpu.dma_semaphore, #tpu.memory_space<semaphore_mem>>) src(%dma_wait3A_311 : memref<2x128xi32, #tpu.memory_space<hbm>>) dst(%dma_wait3A_307 : memref<2x128xi32, #tpu.memory_space<vmem>>)
    }
    %scan3A_109 = arith.constant 20 : i32
    %barrier3A_110 = arith.constant 0 : index
    tpu.barrier barrier_id(%barrier3A_110)
    "tpu.region"() ({
      %run_scoped3A = tpu.sem_alloc : memref<!tpu.dma_semaphore, #tpu.memory_space<semaphore_mem>>
      %dma_start3A_111 = arith.constant 0 : i32
      %dma_start3A_112 = tpu.memref_slice %arg5[%arg0, %mul3A_51, %dma_start3A_111] : memref<2x10240x128xf32, #tpu.memory_space<hbm>> -> memref<1x640x128xf32, #tpu.memory_space<hbm>>
      %dma_start3A_113 = tpu.memref_squeeze %dma_start3A_112 : memref<1x640x128xf32, #tpu.memory_space<hbm>> -> memref<640x128xf32, #tpu.memory_space<hbm>>
      %dma_start3A_114 = arith.constant 0 : i32
      %dma_start3A_115 = tpu.memref_slice %arg10[%mul3A_51, %dma_start3A_114] : memref<10240x128xf32, #tpu.memory_space<vmem_shared>> -> memref<640x128xf32, #tpu.memory_space<vmem_shared>>
      tpu.enqueue_dma source(%dma_start3A_115 : memref<640x128xf32, #tpu.memory_space<vmem_shared>>) target(%dma_start3A_113 : memref<640x128xf32, #tpu.memory_space<hbm>>) target_semaphore(%run_scoped3A : memref<!tpu.dma_semaphore, #tpu.memory_space<semaphore_mem>>)
      %dma_wait3A_116 = arith.constant 0 : i32
      %dma_wait3A_117 = tpu.memref_slice %arg5[%arg0, %mul3A_51, %dma_wait3A_116] : memref<2x10240x128xf32, #tpu.memory_space<hbm>> -> memref<1x640x128xf32, #tpu.memory_space<hbm>>
      %dma_wait3A_118 = tpu.memref_squeeze %dma_wait3A_117 : memref<1x640x128xf32, #tpu.memory_space<hbm>> -> memref<640x128xf32, #tpu.memory_space<hbm>>
      %dma_wait3A_119 = arith.constant 0 : i32
      %dma_wait3A_120 = tpu.memref_slice %arg10[%mul3A_51, %dma_wait3A_119] : memref<10240x128xf32, #tpu.memory_space<vmem_shared>> -> memref<640x128xf32, #tpu.memory_space<vmem_shared>>
      tpu.wait_dma2 semaphore(%run_scoped3A : memref<!tpu.dma_semaphore, #tpu.memory_space<semaphore_mem>>) src(%dma_wait3A_120 : memref<640x128xf32, #tpu.memory_space<vmem_shared>>) dst(%dma_wait3A_118 : memref<640x128xf32, #tpu.memory_space<hbm>>)
      tpu.yield
    }) : () -> ()
    return
  }
}

module attributes {stable_mosaic.version = 14 : i64} {
  func.func @_mlp_body(%arg0: i32, %arg1: memref<2000x128xf32, #tpu.memory_space<vmem>>, %arg2: memref<2x2000x128xf32, #tpu.memory_space<vmem>>, %arg3: memref<128x256xf32, #tpu.memory_space<vmem>>, %arg4: memref<1x256xf32, #tpu.memory_space<vmem>>, %arg5: memref<256x64xf32, #tpu.memory_space<vmem>>, %arg6: memref<1x64xf32, #tpu.memory_space<vmem>>, %arg7: memref<2000x64xf32, #tpu.memory_space<vmem>>) attributes {dimension_semantics = [#tpu.dimension_semantics<arbitrary>], iteration_bounds = array<i64: 5>, scalar_prefetch = 0 : i64, scratch_operands = 0 : i64, tpu.core_type = #tpu.core_type<tc>, window_params = [{transform_indices = @transform_0, window_bounds = array<i64: 2000, 128>}, {transform_indices = @transform_1, window_bounds = array<i64: 2, 2000, 128>}, {pipeline_mode = #tpu.pipeline_mode<synchronous>, transform_indices = @transform_2, window_bounds = array<i64: 128, 256>}, {pipeline_mode = #tpu.pipeline_mode<synchronous>, transform_indices = @transform_3, window_bounds = array<i64: 1, 256>}, {pipeline_mode = #tpu.pipeline_mode<synchronous>, transform_indices = @transform_4, window_bounds = array<i64: 256, 64>}, {pipeline_mode = #tpu.pipeline_mode<synchronous>, transform_indices = @transform_5, window_bounds = array<i64: 1, 64>}, {transform_indices = @transform_6, window_bounds = array<i64: 2000, 64>}]} {
    %get3A = arith.constant 0 : index
    %get3A_0 = arith.constant 0 : index
    %get3A_1 = vector.load %arg1[%get3A, %get3A_0] : memref<2000x128xf32, #tpu.memory_space<vmem>>, vector<2000x128xf32>
    %mul3A = arith.constant 1.030000e+00 : f32
    %mul3A_2 = vector.broadcast %mul3A : f32 to vector<2000x128xf32>
    %mul3A_3 = arith.mulf %mul3A_2, %get3A_1 : vector<2000x128xf32>
    %get3A_4 = arith.constant 0 : index
    %get3A_5 = arith.constant 0 : index
    %get3A_6 = arith.constant 0 : index
    %get3A_7 = vector.load %arg2[%get3A_4, %get3A_5, %get3A_6] : memref<2x2000x128xf32, #tpu.memory_space<vmem>>, vector<1x2000x128xf32>
    %get3A_8 = vector.shape_cast %get3A_7 : vector<1x2000x128xf32> to vector<2000x128xf32>
    %add3A = arith.addf %mul3A_3, %get3A_8 : vector<2000x128xf32>
    %get3A_9 = arith.constant 1 : index
    %get3A_10 = arith.constant 0 : index
    %get3A_11 = arith.constant 0 : index
    %get3A_12 = vector.load %arg2[%get3A_9, %get3A_10, %get3A_11] : memref<2x2000x128xf32, #tpu.memory_space<vmem>>, vector<1x2000x128xf32>
    %get3A_13 = vector.shape_cast %get3A_12 : vector<1x2000x128xf32> to vector<2000x128xf32>
    %add3A_14 = arith.addf %add3A, %get3A_13 : vector<2000x128xf32>
    %get3A_15 = arith.constant 0 : index
    %get3A_16 = arith.constant 0 : index
    %get3A_17 = vector.load %arg3[%get3A_15, %get3A_16] : memref<128x256xf32, #tpu.memory_space<vmem>>, vector<128x256xf32>
    %dot_general3A = arith.constant dense<0.000000e+00> : vector<2000x256xf32>
    %dot_general3A_18 = tpu.matmul %add3A_14, %get3A_17, %dot_general3A {dimension_numbers = #tpu.dot_dimension_numbers<[1], [0], [0], [1], [0, 0, 1, 1], [], []>, transpose_lhs_hint = false} : vector<2000x128xf32>, vector<128x256xf32>, vector<2000x256xf32> -> vector<2000x256xf32>
    %get3A_19 = arith.constant 0 : index
    %get3A_20 = arith.constant 0 : index
    %get3A_21 = vector.load %arg4[%get3A_19, %get3A_20] : memref<1x256xf32, #tpu.memory_space<vmem>>, vector<1x256xf32>
    %add3A_22 = vector.broadcast %get3A_21 : vector<1x256xf32> to vector<2000x256xf32>
    %add3A_23 = arith.addf %dot_general3A_18, %add3A_22 : vector<2000x256xf32>
    %max3A = arith.constant 0.000000e+00 : f32
    %max3A_24 = vector.broadcast %max3A : f32 to vector<2000x256xf32>
    %max3A_25 = arith.maximumf %add3A_23, %max3A_24 : vector<2000x256xf32>
    %get3A_26 = arith.constant 0 : index
    %get3A_27 = arith.constant 0 : index
    %get3A_28 = vector.load %arg5[%get3A_26, %get3A_27] : memref<256x64xf32, #tpu.memory_space<vmem>>, vector<256x64xf32>
    %dot_general3A_29 = arith.constant dense<0.000000e+00> : vector<2000x64xf32>
    %dot_general3A_30 = tpu.matmul %max3A_25, %get3A_28, %dot_general3A_29 {dimension_numbers = #tpu.dot_dimension_numbers<[1], [0], [0], [1], [0, 0, 1, 1], [], []>, transpose_lhs_hint = false} : vector<2000x256xf32>, vector<256x64xf32>, vector<2000x64xf32> -> vector<2000x64xf32>
    %get3A_31 = arith.constant 0 : index
    %get3A_32 = arith.constant 0 : index
    %get3A_33 = vector.load %arg6[%get3A_31, %get3A_32] : memref<1x64xf32, #tpu.memory_space<vmem>>, vector<1x64xf32>
    %add3A_34 = vector.broadcast %get3A_33 : vector<1x64xf32> to vector<2000x64xf32>
    %add3A_35 = arith.addf %dot_general3A_30, %add3A_34 : vector<2000x64xf32>
    %reduce_max3A = arith.constant dense<0xFF800000> : vector<2000xf32>
    %reduce_max3A_36 = vector.multi_reduction <maximumf>, %add3A_35, %reduce_max3A [1] : vector<2000x64xf32> to vector<2000xf32>
    %broadcast_in_dim3A = vector.shape_cast %reduce_max3A_36 : vector<2000xf32> to vector<2000x1xf32>
    %sub3A = vector.broadcast %broadcast_in_dim3A : vector<2000x1xf32> to vector<2000x64xf32>
    %sub3A_37 = arith.subf %add3A_35, %sub3A : vector<2000x64xf32>
    %exp3A = math.exp %sub3A_37 : vector<2000x64xf32>
    %sub3A_38 = vector.broadcast %broadcast_in_dim3A : vector<2000x1xf32> to vector<2000x64xf32>
    %sub3A_39 = arith.subf %add3A_35, %sub3A_38 : vector<2000x64xf32>
    %reduce_sum3A = arith.constant dense<0.000000e+00> : vector<2000xf32>
    %reduce_sum3A_40 = vector.multi_reduction <add>, %exp3A, %reduce_sum3A [1] : vector<2000x64xf32> to vector<2000xf32>
    %broadcast_in_dim3A_41 = vector.shape_cast %reduce_sum3A_40 : vector<2000xf32> to vector<2000x1xf32>
    %log3A = math.log %broadcast_in_dim3A_41 : vector<2000x1xf32>
    %sub3A_42 = vector.broadcast %log3A : vector<2000x1xf32> to vector<2000x64xf32>
    %sub3A_43 = arith.subf %sub3A_39, %sub3A_42 : vector<2000x64xf32>
    %swap3A = arith.constant 0 : index
    %swap3A_44 = arith.constant 0 : index
    %swap3A_45 = vector.load %arg7[%swap3A, %swap3A_44] : memref<2000x64xf32, #tpu.memory_space<vmem>>, vector<2000x64xf32>
    tpu.vector_store %arg7[%swap3A, %swap3A_44], %sub3A_43 {strides = array<i32>} : memref<2000x64xf32, #tpu.memory_space<vmem>>, vector<2000x64xf32>,
    return
  }
  func.func @transform_0(%arg0: i32) -> (i32, i32) {
    %c0_i32 = arith.constant 0 : i32
    %c0_i32_0 = arith.constant 0 : i32
    return %arg0, %c0_i32 : i32, i32
  }
  func.func @transform_1(%arg0: i32) -> (i32, i32, i32) {
    %c0_i32 = arith.constant 0 : i32
    %c0_i32_0 = arith.constant 0 : i32
    %c0_i32_1 = arith.constant 0 : i32
    return %c0_i32, %arg0, %c0_i32_0 : i32, i32, i32
  }
  func.func @transform_2(%arg0: i32) -> (i32, i32) {
    %c0_i32 = arith.constant 0 : i32
    %c0_i32_0 = arith.constant 0 : i32
    %c0_i32_1 = arith.constant 0 : i32
    return %c0_i32, %c0_i32_0 : i32, i32
  }
  func.func @transform_3(%arg0: i32) -> (i32, i32) {
    %c0_i32 = arith.constant 0 : i32
    %c0_i32_0 = arith.constant 0 : i32
    %c0_i32_1 = arith.constant 0 : i32
    return %c0_i32, %c0_i32_0 : i32, i32
  }
  func.func @transform_4(%arg0: i32) -> (i32, i32) {
    %c0_i32 = arith.constant 0 : i32
    %c0_i32_0 = arith.constant 0 : i32
    %c0_i32_1 = arith.constant 0 : i32
    return %c0_i32, %c0_i32_0 : i32, i32
  }
  func.func @transform_5(%arg0: i32) -> (i32, i32) {
    %c0_i32 = arith.constant 0 : i32
    %c0_i32_0 = arith.constant 0 : i32
    %c0_i32_1 = arith.constant 0 : i32
    return %c0_i32, %c0_i32_0 : i32, i32
  }
  func.func @transform_6(%arg0: i32) -> (i32, i32) {
    %c0_i32 = arith.constant 0 : i32
    %c0_i32_0 = arith.constant 0 : i32
    return %arg0, %c0_i32 : i32, i32
  }
}

</mosaic_0001>

<sc_bundles>
// kernel: kernel.4.cloned.1.call-start
scs
__scs_entry_jumppad:
0x0: {  	(pc) =	sbr.rel $0x88, $3  }
0x1: {  	(tag) =	ssettag $0x0;
	lr =	simm.s32 $0x1  }
0x2: {  	[smem:$0x3F9B] =	sst lr;
	_ =	strace $0xD0000000  }
0x3: {  	_ = 	snop  }
0x4: {  	_ = 	snop  }
0x5: {  	_ = 	snop  }
0x6: {  	_ = 	snop  }
0x7: {  	_ = 	snop  }
__scs_overlays_trampoline_lowered:
0x8: {  	[smem:$0x3FAA] =	sst s0  }
0x9: {  	[smem:$0x3FAB] =	sst s1  }
0xa: {  	[smem:$0x3FAC] =	sst s2  }
0xb: {  	[smem:$0x3FAD] =	sst s3  }
0xc: {  	[smem:$0x3FAE] =	sst s4  }
0xd: {  	[smem:$0x3FAF] =	sst s5  }
0xe: {  	[smem:$0x3FB0] =	sst s6  }
0xf: {  	[smem:$0x3FB1] =	sst s7  }
0x10: {  	[smem:$0x3FB2] =	sst s8  }
0x11: {  	[smem:$0x3FB3] =	sst s9;
	s0 =	simm.s32 @!p0 $0x0  }
0x12: {  	s1 =	sld [smem:$0x3F99];
	s0 =	simm.s32 @p0 $0x1  }
0x13: {  	[smem:$0x3FB4] =	sst s0;
	s0 =	simm.s32 @!p1 $0x0  }
0x14: {  	s2 =	sld [smem:$0x3F98];
	s0 =	simm.s32 @p1 $0x1  }
0x15: {  	[smem:$0x3FB5] =	sst s0;
	s0 =	simm.s32 @!p2 $0x0  }
0x16: {  	s3 =	sld [smem:$0x3FDB];
	s0 =	simm.s32 @p2 $0x1  }
0x17: {  	s4 =	simm.s32 $0x1BF5;
	[smem:$0x3FB7] =	sst s0  }
0x18: {  	s0 =	sld [smem:$0x3F9A];
	_ =	swait.ge [sflag:s4], $0x0  }
0x19: {  	s7 =	sld [smem:$0x3F9B]  }
0x1a: {  	s8 =	sadd.s32 $0xFFFFE003, lr  }
0x1b: {  	s9 =	sadd.s32 $0xFFFFFEF7, lr;
	s5 =	simm.s32 $0xFFFFFFFF;
	p2 =	slt.u32 s8, $0xFFFFF086  }
0x1c: {  	p1 =	slt.u32 s9, $0xF7A;
	s5 =	simm.s32 @!p2 $0x0  }
0x1d: {  	s5 =	simm.s32 @p1 $0x1;
	p0 =	seq.s32 s7, s2  }
0x1e: {  	s7 =	smul.u32 @!p0 $0xF7A, s2;
	p2 =	seq.s32 @!p0 s5, $0x0  }
0x1f: {  	s9 =	smul.u32 $0xF7A, s1;
	s8 =	simm.s32 @!p0 $0x1BF5;
	p2 =	por !p2, p0  }
0x20: {  	[sflag:s8] =	ssyncset.s32 @!p0 $0xFFFFF086;
	s6 =	sadd.s32 @!p0 s3, s7;
	s7 =	simm.s32 @!p0 $0x108  }
0x21: {  	s3 =	sadd.s32 s3, s9;
	s6 =	sadd.s32 @!p0 $0x88, s6;
	s7 =	simm.s32 @p2 $0x1082  }
0x22: {  	[simem:s7], [sflag:s8] =	dma.local @!p0 [hbm:s6], $0xF7A  }
0x23: {  	s9 =	sor.u32 $0xD0000000, s2;
	s6 =	simm.s32 $0x108;
	_ =	swait.ge @!p0 [sflag:s8], $0x0  }
0x24: {  	s3 =	sadd.s32 $0x88, s3;
	s6 =	simm.s32 @!p1 $0x1082;
	[sflag:s4] =	ssyncset.s32 $0xFFFFF086  }
0x25: {  	[simem:s6], [sflag:s4] =	dma.local [hbm:s3], $0xF7A  }
0x26: {  	[smem:$0x3F9B] =	sst s1;
	(tag) =	ssettag s2;
	_ =	strace s9  }
0x27: {  	s1 =	sld [smem:$0x3FAB]  }
0x28: {  	s2 =	sld [smem:$0x3FAC]  }
0x29: {  	s4 =	sld [smem:$0x3FAE]  }
0x2a: {  	p0 =	seq.s32 s5, $0x0;
	s5 =	sld [smem:$0x3FAF]  }
0x2b: {  	s6 =	sld [smem:$0x3FB0]  }
0x2c: {  	s7 =	sld [smem:$0x3FB1]  }
0x2d: {  	s3 =	simm.s32 $0x108;
	s8 =	sld [smem:$0x3FB2]  }
0x2e: {  	s3 =	simm.s32 @!p0 $0x1082;
	s9 =	sld [smem:$0x3FB3]  }
0x2f: {  	lr =	sadd.s32 s0, s3;
	s0 =	sld [smem:$0x3FAA]  }
0x30: {  	s3 =	sld [smem:$0x3FAD]  }
0x31: {  	[smem:$0x3FB6] =	sst s10  }
0x32: {  	s10 =	sld [smem:$0x3FB4];
	_ =	sdelay $0x3  }
0x33: {  	p0 =	seq.s32 s10, $0x1;
	s10 =	sld [smem:$0x3FB6];
	_ =	sdelay $0x3  }
0x34: {  	[smem:$0x3FB6] =	sst s10  }
0x35: {  	s10 =	sld [smem:$0x3FB5];
	_ =	sdelay $0x3  }
0x36: {  	p1 =	seq.s32 s10, $0x1;
	s10 =	sld [smem:$0x3FB6];
	_ =	sdelay $0x3  }
0x37: {  	[smem:$0x3FB6] =	sst s10  }
0x38: {  	s10 =	sld [smem:$0x3FB7]  }
0x39: {  	_ = 	snop;
	(pc) =	sbr.ind lr, $3  }
0x3a: {  	_ = 	snop  }
0x3b: {  	_ = 	snop  }
0x3c: {  	p2 =	seq.s32 s10, $0x1;
	s10 =	sld [smem:$0x3FB6]  }
0x3d: {  	_ =	shalt  }
0x3e: {  	_ =	shalt  }
0x3f: {  	_ =	shalt  }
0x40: {  	_ =	shalt  }
0x41: {  	_ =	shalt  }
0x42: {  	_ =	shalt  }
0x43: {  	_ =	shalt  }
0x44: {  	_ =	shalt  }
0x45: {  	_ =	shalt  }
0x46: {  	_ =	shalt  }
0x47: {  	_ =	shalt  }
0x48: {  	_ =	shalt  }
0x49: {  	_ =	shalt  }
0x4a: {  	_ =	shalt  }
0x4b: {  	_ =	shalt  }
0x4c: {  	_ =	shalt  }
0x4d: {  	_ =	shalt  }
0x4e: {  	_ =	shalt  }
0x4f: {  	_ =	shalt  }
0x50: {  	_ =	shalt  }
0x51: {  	_ =	shalt  }
0x52: {  	_ =	shalt  }
0x53: {  	_ =	shalt  }
0x54: {  	_ =	shalt  }
0x55: {  	_ =	shalt  }
0x56: {  	_ =	shalt  }
0x57: {  	_ =	shalt  }
0x58: {  	_ =	shalt  }
0x59: {  	_ =	shalt  }
0x5a: {  	_ =	shalt  }
0x5b: {  	_ =	shalt  }
0x5c: {  	_ =	shalt  }
0x5d: {  	_ =	shalt  }
0x5e: {  	_ =	shalt  }
0x5f: {  	_ =	shalt  }
0x60: {  	_ =	shalt  }
0x61: {  	_ =	shalt  }
0x62: {  	_ =	shalt  }
0x63: {  	_ =	shalt  }
0x64: {  	_ =	shalt  }
0x65: {  	_ =	shalt  }
0x66: {  	_ =	shalt  }
0x67: {  	_ =	shalt  }
0x68: {  	_ =	shalt  }
0x69: {  	_ =	shalt  }
0x6a: {  	_ =	shalt  }
0x6b: {  	_ =	shalt  }
0x6c: {  	_ =	shalt  }
0x6d: {  	_ =	shalt  }
0x6e: {  	_ =	shalt  }
0x6f: {  	_ =	shalt  }
0x70: {  	_ =	shalt  }
0x71: {  	_ =	shalt  }
0x72: {  	_ =	shalt  }
0x73: {  	_ =	shalt  }
0x74: {  	_ =	shalt  }
0x75: {  	_ =	shalt  }
0x76: {  	_ =	shalt  }
0x77: {  	_ =	shalt  }
0x78: {  	_ =	shalt  }
0x79: {  	_ =	shalt  }
0x7a: {  	_ =	shalt  }
0x7b: {  	_ =	shalt  }
0x7c: {  	_ =	shalt  }
0x7d: {  	_ =	shalt  }
0x7e: {  	_ =	shalt  }
0x7f: {  	_ =	shalt  }
0x80: {  	_ =	shalt  }
0x81: {  	_ =	shalt  }
0x82: {  	_ =	shalt  }
0x83: {  	_ =	shalt  }
0x84: {  	_ =	shalt  }
0x85: {  	_ =	shalt  }
0x86: {  	_ =	shalt  }
0x87: {  	_ =	shalt  }
.Lfunc_end0:
.L_simem_size_0:
called_computation_lowered:
.L_overlay_start_0:
0x88: {  	s2 =	sld [smem:$0x3FD9]  }
0x89: {  	s3 =	sld [smem:$0x3FFE];
	_ =	sdelay $0x1  }
0x8a: {  	s1 =	srdreg.scid  }
0x8b: {  	s0 =	sand.u32 $0x1, s1  }
0x8c: {  	s17 =	sshll.u32 s0, $0xA;
	s2 =	sadd.s32 s3, s2  }
0x8d: {  	s2 =	sadd.s32 s2, s17  }
0x8e: {  	[smem:$0x3FC2] =	sst s2  }
0x8f: {  	_ = 	snop  }
0x90: {  	s2 =	sld [smem:$0x3FC9]  }
0x91: {  	s18 =	sld [smem:$0x3FD0];
	(tm) =	ssettm $0x1  }
0x92: {  	s4 =	sld [smem:$0x3FFB];
	_ =	sdelay $0x3  }
0x93: {  	_ =	strace s4  }
0x94: {  	s4 =	sld [smem:$0x3FFC];
	_ =	sdelay $0x3  }
0x95: {  	_ =	strace s4  }
0x96: {  	s4 =	sld [smem:$0x3FFD];
	_ =	sdelay $0x3  }
0x97: {  	_ =	strace s4  }
0x98: {  	_ =	strace $0x8FFFFFFF  }
0x99: {  	s19 =	sld [smem:$0x3FDB];
	_ =	sdelay $0x1  }
0x9a: {  	s5 =	simm.s32 $_scs_section_size  }
0x9b: {  	s6 =	simm.s32 $_size__tile_overlayer_lowered;
	s7 =	simm.s32 $_tile_overlayer_lowered  }
0x9c: {  	s22 =	simm.s32 $0x1BFF;
	s21 =	sshll.u32 s7, $0x1;
	s4 =	sadd.s32 s5, s19  }
0x9d: {  	s8 =	simm.s32 $0x0;
	s20 =	sshll.u32 s6, $0x1;
	s6 =	sadd.s32 s21, s4  }
0x9e: {  	[timem:s8], [sflag:s22] =	dma.local [hbm:s6], s20  }
0x9f: {  	_ =	swait.ge [sflag:s22], s20  }
0xa0: {  	s5 =	ssub.s32 $0x0, s20;
	[sflag:s22] =	ssyncset.done $0x0  }
0xa1: {  	[sflag:s22] =	ssyncadd.s32 s5;
	_ =	sdelay $0x1  }
0xa2: {  	s23 =	simm.s32 $0x1B8B  }
0xa3: {  	_ =	swait.ge [sflag:s23], $0x1  }
0xa4: {  	[sflag:s23] =	ssyncset.done $0x0  }
0xa5: {  	s25 =	simm.s32 $0x1B8E;
	s24 =	sld [smem:$0x3FFE];
	[sflag:s23] =	ssyncadd.s32 $0xFFFFFFFF  }
0xa6: {  	s26 =	simm.s32 $execute0_lowered;
	[smem:$0x3FD2] =	sst s25  }
0xa7: {  	s6 =	sshll.u32 s26, $0x1;
	_ =	strace $0x80000046;
	[dreg:$0x1] =	wrdreg $0xFFFFFFFF  }
0xa8: {  	s28 =	simm.s32 $_size_execute0_lowered;
	s4 =	sadd.s32 s4, s6;
	[dreg:$0x0] =	wrdreg $0x0  }
0xa9: {  	s6 =	sshll.u32 s28, $0x1;
	[dreg:$0x2] =	wrdreg s4  }
0xaa: {  	[dreg:$0x3] =	wrdreg s6  }
0xab: {  	[dreg:$0x4] =	wrdreg $0xC0  }
0xac: {  	_ =	task [dreg:s8], $0x5FFFF  }
0xad: {  	[dreg:$0x1] =	wrdreg $0xFFFFFFFF  }
0xae: {  	[dreg:$0x0] =	wrdreg $0x60  }
0xaf: {  	[dreg:$0x2] =	wrdreg s2  }
0xb0: {  	[dreg:$0x3] =	wrdreg s18  }
0xb1: {  	[dreg:$0x4] =	wrdreg s24  }
0xb2: {  	[dreg:$0x5] =	wrdreg $0xAA000  }
0xb3: {  	[dreg:$0x6] =	wrdreg $0x9  }
0xb4: {  	_ =	task.clear_ibuf [dreg:s8], $0x7FFFF;
	_ =	strace $0x90000046  }
0xb5: {  	s29 =	simm.s32 $0x9;
	_ =	strace $0x80000048  }
0xb6: {  	_ =	swait.ge [sflag:s29], $0x1  }
0xb7: {  	[sflag:s29] =	ssyncadd.s32 $0xFFFFFFFF  }
0xb8: {  	_ =	strace $0x90000048  }
0xb9: {  	_ =	sfence  }
0xba: {  	s30 =	sld [smem:$0x0];
	_ =	sdelay $0x2  }
0xbb: {  	s31 =	sshll.u32 s1, $0xD;
	s1 =	sshrl.u32 s1, $0x2  }
0xbc: {  	s3 =	sand.u32 $0x4000, s31;
	s1 =	sadd.s32 s1, s30  }
0xbd: {  	s0 =	sor.u32 s3, s0;
	s1 =	sshll.u32 s1, $0x11  }
0xbe: {  	s0 =	sor.u32 s1, s0  }
0xbf: {  	s0 =	sadd.s32 $0x8F2B, s0  }
0xc0: {  	[sflag:s0] =	ssyncadd.remote.s32 $0x1  }
0xc1: {  	_ =	sfence.sel $0xFFFF  }
0xc2: {  	[dreg:$0x0] =	wrdreg $0xFFFFFFFF;
	(pc) =	sbr.abs _section_cstart, $3  }
0xc3: {  	[dreg:$0x1] =	wrdreg $0xFFFFFFFF  }
0xc4: {  	_ =	task.clear_ibuf [dreg:s8], $0x2FFFF;
	_ =	strace $0x9FFFFFFF  }
0xc5: {  	(tm) =	ssettm $0x7FFFFFFF  }
tec
execute0_lowered:
.L_overlay_start_1:
0x0: {  	(tag) =	ssettag $0x1  }
0x1: {  	s1 =	rddreg [dreg:$0x0]  }
0x2: {  	s3 =	rddreg [dreg:$0x1]  }
0x3: {  	s0 =	srdreg.scid;
	s6 =	rddreg [dreg:$0x2]  }
0x4: {  	s10 =	stileid.u32;
	s4 =	rddreg [dreg:$0x3];
	s5 =	simm.s32 $0x0  }
0x5: {  	s19 =	simm.s32 $0x100;
	s20 =	simm.s32 $0x2A00;
	s28 =	simm.s32 $0x1  }
0x6: {  	s29 =	simm.s32 $0x2;
	s30 =	simm.s32 $0x180;
	s9 =	smul.u32 $0x14000, s10  }
0x7: {  	s31 =	simm.s32 $0x0;
	s0 =	sand.u32 $0x1, s0;
	s23 =	smul.u32 $0x50000, s10  }
0x8: {  	[smem:$0x7FF] =	sst s5;
	s12 =	smul.u32 $0x2A00, s10;
	s2 =	sshll.u32 s0, $0x4  }
0x9: {  	s8 =	smul.u32 $0x140000, s0;
	_ =	strace $0x80000047;
	s21 =	ssub.s32 $0x2, s0  }
0xa: {  	s0 =	smul.u32 $0x2A000, s0;
	s2 =	sor.u32 s10, s2;
	s22 =	sshrl.u32 s21, $0x1  }
0xb: {  	s24 =	sshrl.u32 s23, $0x2;
	s23 =	simm.s32 $0x4;
	s7 =	smul.u32 $0x500, s2  }
0xc: {  	s8 =	sadd.s32 s9, s8;
	s2 =	smul.u32 $0x2A00, s2;
	s15 =	ssub.s32 s21, s22  }
0xd: {  	s9 =	sadd.s32 s24, s4;
	s26 =	sadd.s32 s12, s0;
	s21 =	simm.s32 $0x6  }
0xe: {  	s22 =	simm.s32 $0x3;
	s24 =	simm.s32 $0x5;
	s8 =	sshrl.u32 s8, $0x3  }
0xf: {  	s11 =	sadd.s32 $0x8000, s9;
	s12 =	sadd.s32 $0xC000, s9;
	s13 =	sadd.s32 $0x10000, s9  }
0x10: {  	s0 =	sadd.s32 $0x300, s26;
	s15 =	smax.u32 s15, $0x1;
	s18 =	sadd.s32 $0x200, s26  }
0x11: {  	s26 =	simm.s32 $0x6A00;
	s7 =	sadd.s32 s7, s6;
	s14 =	sadd.s32 s8, s6  }
0x12: {  	s2 =	sshrl.u32 s2, $0x3;
	s0 =	sshrl.u32 s0, $0x3;
	s7 =	sadd.s32 $0xE00, s7  }
0x13: {  	s6 =	sadd.s32 s3, s2;
	s2 =	sadd.s32 $0x4000, s9;
	[dreg:$0x5] =	wrdreg s7  }
0x14: {  	s14 =	sadd.s32 $0xAE00, s14;
	s25 =	sadd.s32 $0x20, s6;
	[dreg:$0x7] =	wrdreg s2  }
0x15: {  	v0 =	vimm.f32 $0.0e+00;
	s0 =	sadd.s32 s0, s3;
	[dreg:$0x6] =	wrdreg s25;
	s25 =	simm.s32 $0x80  }
.LBB2_1:
0x16: {  	s2 =	rddreg [dreg:$0x5];
	s7 =	simm.s32 $0x200  }
0x17: {  	[tilespmem:s7], [sflag:$0x3] =	stream.linear.gather [hbm4b:s2+s5], $0x2800, $0x38;
	[tilespmem:$0x1EA00] =	vst v63  }
0x18: {  	_ = 	snop  }
0x19: {  	[tilespmem:s5], [sflag:$0x4] =	stream.linear.gather [hbm4b:s6+s5], $0x100, $0x38;
	[tilespmem:$0x1EA00] =	vst v63  }
0x1a: {  	s17 =	rddreg [dreg:$0x6];
	s16 =	simm.s32 $0x200;
	s2 =	simm.s32 $0x0  }
0x1b: {  	[tilespmem:s19], [sflag:$0x5] =	stream.linear.gather [hbm4b:s17+s5], $0x100, $0x38;
	[tilespmem:$0x1EA00] =	vst v63  }
.LBB2_2:
0x1c: {  	p0 =	sne.s32 s16, $0xFE00;
	[tilespmem:s2+$0x2A70] =	vst v0  }
0x1d: {  	[tilespmem:s2+$0x2A00] =	vst v0  }
0x1e: {  	[tilespmem:s2+$0x2A10] =	vst v0  }
.Ltmp0:
0x1f: {  	[tilespmem:s2+$0x2A20] =	vst v0;
	(pc) =	sbr.rel @p0 .LBB2_2-.Ltmp0, $4  }
0x20: {  	[tilespmem:s2+$0x2A30] =	vst v0  }
0x21: {  	[tilespmem:s2+$0x2A40] =	vst v0  }
0x22: {  	[tilespmem:s2+$0x2A50] =	vst v0  }
0x23: {  	[tilespmem:s2+$0x2A60] =	vst v0;
	s2 =	sshra.s32 s16, $0x2;
	s16 =	sadd.s32 $0x200, s16  }
0x24: {  	[tilespmem:s2+$0x2A70] =	vst v0  }
0x25: {  	[tilespmem:s2+$0x2A00] =	vst v0  }
0x26: {  	[tilespmem:s2+$0x2A10] =	vst v0  }
0x27: {  	[tilespmem:s2+$0x2A20] =	vst v0  }
0x28: {  	[tilespmem:s2+$0x2A30] =	vst v0  }
0x29: {  	[tilespmem:s2+$0x2A40] =	vst v0  }
0x2a: {  	[tilespmem:s2+$0x2A50] =	vst v0  }
0x2b: {  	[tilespmem:s2+$0x2A60] =	vst v0  }
0x2c: {  	[spmem:s9] =	stream.linear.scatter [tilespmem:s20], [sflag:$0x6], $0x4000, $0x38;
	[tilespmem:$0x1EA00] =	vst v63  }
0x2d: {  	_ =	swait.ge [sflag:s21], $0x4000  }
0x2e: {  	[sflag:s21] =	ssyncset.done $0x0  }
0x2f: {  	s17 =	rddreg [dreg:$0x7];
	[sflag:s21] =	ssyncadd.s32 $0xFFFFC000  }
0x30: {  	[spmem:s17] =	stream.linear.scatter [tilespmem:s20], [sflag:$0x6], $0x4000, $0x38;
	[tilespmem:$0x1EA00] =	vst v63  }
0x31: {  	_ =	swait.ge [sflag:s21], $0x4000  }
0x32: {  	[sflag:s21] =	ssyncset.done $0x0  }
0x33: {  	[sflag:s21] =	ssyncadd.s32 $0xFFFFC000  }
0x34: {  	[spmem:s11] =	stream.linear.scatter [tilespmem:s20], [sflag:$0x6], $0x4000, $0x38;
	[tilespmem:$0x1EA00] =	vst v63  }
0x35: {  	_ =	swait.ge [sflag:s21], $0x4000  }
0x36: {  	[sflag:s21] =	ssyncset.done $0x0  }
0x37: {  	[sflag:s21] =	ssyncadd.s32 $0xFFFFC000  }
0x38: {  	[spmem:s12] =	stream.linear.scatter [tilespmem:s20], [sflag:$0x6], $0x4000, $0x38;
	[tilespmem:$0x1EA00] =	vst v63  }
0x39: {  	_ =	swait.ge [sflag:s21], $0x4000  }
0x3a: {  	[sflag:s21] =	ssyncset.done $0x0  }
0x3b: {  	[sflag:s21] =	ssyncadd.s32 $0xFFFFC000  }
0x3c: {  	[spmem:s13] =	stream.linear.scatter [tilespmem:s20], [sflag:$0x6], $0x4000, $0x38;
	[tilespmem:$0x1EA00] =	vst v63  }
0x3d: {  	_ =	swait.ge [sflag:s21], $0x4000  }
0x3e: {  	[sflag:s21] =	ssyncset.done $0x0  }
0x3f: {  	[sflag:s21] =	ssyncadd.s32 $0xFFFFC000  }
0x40: {  	_ =	swait.ge [sflag:s22], $0x2800  }
0x41: {  	[sflag:s22] =	ssyncset.done $0x0  }
0x42: {  	[sflag:s22] =	ssyncadd.s32 $0xFFFFD800  }
0x43: {  	_ =	swait.ge [sflag:s23], $0x100  }
0x44: {  	[sflag:s23] =	ssyncset.done $0x0  }
0x45: {  	[sflag:s23] =	ssyncadd.s32 $0xFFFFFF00  }
0x46: {  	_ =	swait.ge [sflag:s24], $0x100  }
0x47: {  	[sflag:s24] =	ssyncset.done $0x0  }
0x48: {  	[sflag:s24] =	ssyncadd.s32 $0xFFFFFF00  }
0x49: {  	[bflag:$0x0] =	sbarrier.arrive $0xFFFF  }
0x4a: {  	[tilespmem:s20], [sflag:$0x1] =	stream.indirect.gather [hbm4b:s1+s25], $0x80, s5, s25, $0xb8;
	[tilespmem:$0x1EA00] =	vst v63  }
0x4b: {  	_ = 	snop  }
0x4c: {  	[tilespmem:s26], [sflag:$0x2] =	stream.indirect.gather [hbm4b:s1+s25], $0x80, s25, s25, $0xb8;
	[tilespmem:$0x1EA00] =	vst v63  }
0x4d: {  	_ =	swait.ge [sflag:s28], $0x4000  }
0x4e: {  	[sflag:s28] =	ssyncset.done $0x0  }
0x4f: {  	s7 =	simm.s32 $0x200;
	[sflag:s28] =	ssyncadd.s32 $0xFFFFC000  }
0x50: {  	[spmem:s4] =	stream.indirect.scatter.add.f32 [tilespmem:s20], [sflag:$0x4], $0x80, s7, s25, $0xb8;
	[tilespmem:$0x1EA00] =	vst v63  }
0x51: {  	_ =	swait.ge [sflag:s29], $0x4000  }
0x52: {  	[sflag:s29] =	ssyncset.done $0x0  }
0x53: {  	s8 =	simm.s32 $0x280;
	s16 =	sshrl.u32 s18, $0x3;
	[sflag:s29] =	ssyncadd.s32 $0xFFFFC000  }
0x54: {  	[spmem:s4] =	stream.indirect.scatter.add.f32 [tilespmem:s26], [sflag:$0x5], $0x80, s8, s25, $0xb8;
	[tilespmem:$0x1EA00] =	vst v63  }
0x55: {  	s10 =	sadd.s32 s3, s16  }
0x56: {  	[tilespmem:s5], [sflag:$0x3] =	stream.linear.gather [hbm4b:s10+s5], $0x100, $0x38;
	[tilespmem:$0x1EA00] =	vst v63  }
0x57: {  	_ =	swait.ge [sflag:s23], $0x4000  }
0x58: {  	[sflag:s23] =	ssyncset.done $0x0  }
0x59: {  	[sflag:s23] =	ssyncadd.s32 $0xFFFFC000  }
0x5a: {  	[tilespmem:s20], [sflag:$0x1] =	stream.indirect.gather [hbm4b:s1+s25], $0x80, s19, s25, $0xb8;
	[tilespmem:$0x1EA00] =	vst v63  }
0x5b: {  	_ =	swait.ge [sflag:s24], $0x4000  }
0x5c: {  	[sflag:s24] =	ssyncset.done $0x0  }
0x5d: {  	[sflag:s24] =	ssyncadd.s32 $0xFFFFC000  }
0x5e: {  	[tilespmem:s26], [sflag:$0x2] =	stream.indirect.gather [hbm4b:s1+s25], $0x80, s30, s25, $0xb8;
	[tilespmem:$0x1EA00] =	vst v63  }
0x5f: {  	_ =	swait.ge [sflag:s28], $0x4000  }
0x60: {  	[sflag:s28] =	ssyncset.done $0x0  }
0x61: {  	s16 =	simm.s32 $0x300;
	[sflag:s28] =	ssyncadd.s32 $0xFFFFC000  }
0x62: {  	[spmem:s4] =	stream.indirect.scatter.add.f32 [tilespmem:s20], [sflag:$0x4], $0x80, s16, s25, $0xb8;
	[tilespmem:$0x1EA00] =	vst v63  }
0x63: {  	_ =	swait.ge [sflag:s29], $0x4000  }
0x64: {  	[sflag:s29] =	ssyncset.done $0x0  }
0x65: {  	s17 =	simm.s32 $0x380;
	[sflag:s29] =	ssyncadd.s32 $0xFFFFC000  }
0x66: {  	[spmem:s4] =	stream.indirect.scatter.add.f32 [tilespmem:s26], [sflag:$0x5], $0x80, s17, s25, $0xb8;
	[tilespmem:$0x1EA00] =	vst v63  }
0x67: {  	_ = 	snop  }
0x68: {  	[tilespmem:s19], [sflag:$0x3] =	stream.linear.gather [hbm4b:s0+s5], $0x100, $0x38;
	[tilespmem:$0x1EA00] =	vst v63  }
0x69: {  	_ =	swait.ge [sflag:s23], $0x4000  }
0x6a: {  	[sflag:s23] =	ssyncset.done $0x0  }
0x6b: {  	[sflag:s23] =	ssyncadd.s32 $0xFFFFC000  }
0x6c: {  	_ =	swait.ge [sflag:s24], $0x4000  }
0x6d: {  	[sflag:s24] =	ssyncset.done $0x0  }
0x6e: {  	[sflag:s24] =	ssyncadd.s32 $0xFFFFC000  }
0x6f: {  	_ =	swait.ge [sflag:s22], $0x100  }
0x70: {  	[sflag:s22] =	ssyncset.done $0x0  }
0x71: {  	[sflag:s22] =	ssyncadd.s32 $0xFFFFFF00  }
0x72: {  	s2 =	simm.s32 $0x800;
	_ =	swait.ge [sflag:s22], $0x100  }
0x73: {  	s16 =	smov.u32 s0;
	s17 =	smov.u32 s18;
	[sflag:s22] =	ssyncset.done $0x0  }
.LBB2_4:
0x74: {  	[sflag:s22] =	ssyncadd.s32 $0xFFFFFF00;
	s16 =	sadd.s32 $0x40, s16;
	s17 =	sadd.s32 $0x200, s17  }
0x75: {  	[tilespmem:s20], [sflag:$0x1] =	stream.indirect.gather [hbm4b:s1+s25], $0x80, s5, s25, $0xb8;
	[tilespmem:$0x1EA00] =	vst v63  }
0x76: {  	p0 =	sne.s32 s2, $0x9800;
	s7 =	smov.u32 s2;
	s2 =	sadd.s32 $0x800, s2  }
0x77: {  	[tilespmem:s26], [sflag:$0x2] =	stream.indirect.gather [hbm4b:s1+s25], $0x80, s25, s25, $0xb8;
	[tilespmem:$0x1EA00] =	vst v63  }
0x78: {  	_ =	swait.ge [sflag:s28], $0x4000  }
0x79: {  	s7 =	sshra.s32 s7, $0x2;
	[sflag:s28] =	ssyncset.done $0x0  }
0x7a: {  	s8 =	sadd.s32 $0x200, s7;
	[sflag:s28] =	ssyncadd.s32 $0xFFFFC000  }
0x7b: {  	[spmem:s4] =	stream.indirect.scatter.add.f32 [tilespmem:s20], [sflag:$0x4], $0x80, s8, s25, $0xb8;
	[tilespmem:$0x1EA00] =	vst v63  }
0x7c: {  	_ =	swait.ge [sflag:s29], $0x4000  }
0x7d: {  	[sflag:s29] =	ssyncset.done $0x0  }
0x7e: {  	s10 =	sshrl.u32 s17, $0x3;
	s8 =	sadd.s32 $0x280, s7;
	[sflag:s29] =	ssyncadd.s32 $0xFFFFC000  }
0x7f: {  	[spmem:s4] =	stream.indirect.scatter.add.f32 [tilespmem:s26], [sflag:$0x5], $0x80, s8, s25, $0xb8;
	[tilespmem:$0x1EA00] =	vst v63  }
0x80: {  	s8 =	sadd.s32 s3, s10  }
0x81: {  	[tilespmem:s5], [sflag:$0x3] =	stream.linear.gather [hbm4b:s8+s5], $0x100, $0x38;
	[tilespmem:$0x1EA00] =	vst v63  }
0x82: {  	_ =	swait.ge [sflag:s23], $0x4000  }
0x83: {  	[sflag:s23] =	ssyncset.done $0x0  }
0x84: {  	[sflag:s23] =	ssyncadd.s32 $0xFFFFC000  }
0x85: {  	[tilespmem:s20], [sflag:$0x1] =	stream.indirect.gather [hbm4b:s1+s25], $0x80, s19, s25, $0xb8;
	[tilespmem:$0x1EA00] =	vst v63  }
0x86: {  	_ =	swait.ge [sflag:s24], $0x4000  }
0x87: {  	[sflag:s24] =	ssyncset.done $0x0  }
0x88: {  	[sflag:s24] =	ssyncadd.s32 $0xFFFFC000  }
0x89: {  	[tilespmem:s26], [sflag:$0x2] =	stream.indirect.gather [hbm4b:s1+s25], $0x80, s30, s25, $0xb8;
	[tilespmem:$0x1EA00] =	vst v63  }
0x8a: {  	_ =	swait.ge [sflag:s28], $0x4000  }
0x8b: {  	[sflag:s28] =	ssyncset.done $0x0  }
0x8c: {  	s8 =	sadd.s32 $0x300, s7;
	[sflag:s28] =	ssyncadd.s32 $0xFFFFC000  }
0x8d: {  	[spmem:s4] =	stream.indirect.scatter.add.f32 [tilespmem:s20], [sflag:$0x4], $0x80, s8, s25, $0xb8;
	[tilespmem:$0x1EA00] =	vst v63  }
0x8e: {  	_ =	swait.ge [sflag:s29], $0x4000  }
0x8f: {  	[sflag:s29] =	ssyncset.done $0x0  }
0x90: {  	s7 =	sadd.s32 $0x380, s7;
	[sflag:s29] =	ssyncadd.s32 $0xFFFFC000  }
0x91: {  	[spmem:s4] =	stream.indirect.scatter.add.f32 [tilespmem:s26], [sflag:$0x5], $0x80, s7, s25, $0xb8;
	[tilespmem:$0x1EA00] =	vst v63  }
0x92: {  	_ = 	snop  }
0x93: {  	[tilespmem:s19], [sflag:$0x3] =	stream.linear.gather [hbm4b:s16+s5], $0x100, $0x38;
	[tilespmem:$0x1EA00] =	vst v63  }
0x94: {  	_ =	swait.ge [sflag:s23], $0x4000  }
0x95: {  	[sflag:s23] =	ssyncset.done $0x0  }
0x96: {  	[sflag:s23] =	ssyncadd.s32 $0xFFFFC000  }
0x97: {  	_ =	swait.ge [sflag:s24], $0x4000  }
0x98: {  	[sflag:s24] =	ssyncset.done $0x0  }
0x99: {  	[sflag:s24] =	ssyncadd.s32 $0xFFFFC000  }
.Ltmp1:
0x9a: {  	_ =	swait.ge [sflag:s22], $0x100;
	(pc) =	sbr.rel @p0 .LBB2_4-.Ltmp1, $4  }
0x9b: {  	[sflag:s22] =	ssyncset.done $0x0  }
0x9c: {  	[sflag:s22] =	ssyncadd.s32 $0xFFFFFF00  }
0x9d: {  	_ =	swait.ge [sflag:s22], $0x100  }
0x9e: {  	[sflag:s22] =	ssyncset.done $0x0  }
0x9f: {  	[sflag:s22] =	ssyncadd.s32 $0xFFFFFF00;
	s2 =	stileid.u32;
	s31 =	sadd.s32 $0x1, s31  }
0xa0: {  	s7 =	sshrl.u32 s9, $0x3;
	s2 =	sshll.u32 s2, $0x6;
	p0 =	sne.s32 s31, s15  }
.Ltmp2:
0xa1: {  	[bflag:$0x0] =	sbarrier.arrive $0xFFFF;
	s2 =	sor.u32 $0x1C06, s2;
	(pc) =	sbr.rel @p0 .LBB2_1-.Ltmp2, $4  }
0xa2: {  	[hbm:s14], [sflag:s2] =	dma.local [spmem:s7], $0x2800  }
0xa3: {  	_ =	swait.ge [sflag:s21], $0x2800  }
0xa4: {  	[sflag:s21] =	ssyncset.done $0x0  }
0xa5: {  	[sflag:s21] =	ssyncadd.s32 $0xFFFFD800  }
0xa6: {  	_ =	sfence.sel $0x180000  }
0xa7: {  	[bflag:$0x0] =	sbarrier.arrive $0xFFFF  }
0xa8: {  	_ =	strace $0x90000047  }
0xa9: {  	s0 =	stileid.u32;
	[bflag:$0x2] =	sbarrier.arrive $0xFFFF  }
0xaa: {  	p0 =	sne.s32 s0, $0x0;
	s0 =	rddreg [dreg:$0x4]  }
0xab: {  	s0 =	sadd.s32 @!p0 $0x100000, s0  }
0xac: {  	[sflag:s0] =	ssyncadd.tile.s32 @!p0 $0x1;
	_ =	shalt  }
.Lfunc_end2:
_tile_overlayer_lowered:
.L_overlay_start_2:
0xad: {  	(tag) =	ssettag $0x2  }
0xae: {  	s0 =	rddreg [dreg:$0x0];
	s2 =	stileid.u32  }
0xaf: {  	s1 =	rddreg [dreg:$0x1];
	p0 =	sne.s32 s2, $0x0  }
0xb0: {  	s3 =	rddreg [dreg:$0x2];
	[bflag:$0x3] =	sbarrier.arrive $0xFFFF;
	s2 =	simm.s32 @!p0 $0x1C06  }
0xb1: {  	[timem:s3], [sflag:s2] =	dma.local @!p0 [hbm:s0], s1  }
0xb2: {  	s0 =	simm.s32 @!p0 $0x6  }
0xb3: {  	_ =	swait.ge @!p0 [sflag:s0], s1  }
0xb4: {  	s1 =	ssub.s32 @!p0 $0x0, s1;
	[sflag:s0] =	ssyncset.done @!p0 $0x0  }
0xb5: {  	[sflag:s0] =	ssyncadd.s32 @!p0 s1  }
0xb6: {  	[bflag:$0x3] =	sbarrier.arrive $0xFFFF  }
0xb7: {  	_ =	shalt  }

</sc_bundles>
